<compile_context>
chip_gen: v7x
topology: tpu7x:2x2x1
jax: 0.10.2.dev20260603
libtpu: 0.0.44.dev20260713+nightly
codegen_flags: <defaults>
</compile_context>

<pallas_src>
import functools

import jax
import jax.numpy as jnp
from jax import lax
from jax.experimental import pallas as pl
from jax.experimental.pallas import tpu as pltpu
from jax.experimental.pallas import tpu_sc as plsc

N = 10000
E = 320000
D = 128

NC = 2
NS = 16
NW = NC * NS

NPAD = 10240
RPT = NPAD // NS
CHUNK = 128
CT = 2528
EPAD = CT * CHUNK

AC0 = 134
AC1 = 24
ACMAX = 134

DC = CT // NW

_mesh = plsc.VectorSubcoreMesh(core_axis_name="c", subcore_axis_name="s")


@functools.partial(
    pl.kernel,
    out_type=jax.ShapeDtypeStruct((NC, NPAD, D), jnp.float32),
    mesh=_mesh,
    scratch_types=[
        [pltpu.VMEM((CHUNK,), jnp.int32) for _ in range(2)],
        pltpu.VMEM((CHUNK, D), jnp.float32),
        pltpu.VMEM_SHARED((NPAD, D), jnp.float32),
        [pltpu.SemaphoreType.DMA for _ in range(2)],
    ],
)
def _deg_kernel(dst_hbm, ones_hbm, zeros_hbm, out_hbm, idx_v, ones_v, deg_sh,
                sem_i):
    cid = lax.axis_index("c")
    sid = lax.axis_index("s")
    base = (cid * NS + sid) * DC
    pltpu.sync_copy(ones_hbm, ones_v)
    pltpu.sync_copy(zeros_hbm, deg_sh.at[pl.ds(sid * RPT, RPT)])
    plsc.subcore_barrier()

    pltpu.async_copy(dst_hbm.at[base + 0], idx_v[0], sem_i[0])
    pltpu.async_copy(dst_hbm.at[base + 1], idx_v[1], sem_i[1])

    def step(i, carry):
        for b in range(2):
            c = 2 * i + b
            pltpu.make_async_copy(dst_hbm.at[base], idx_v[b], sem_i[b]).wait()
            pltpu.sync_copy(ones_v, deg_sh.at[idx_v[b]], add=True)

            @pl.when(c + 2 < DC)
            def _():
                pltpu.async_copy(dst_hbm.at[base + c + 2], idx_v[b], sem_i[b])
        return carry

    lax.fori_loop(0, DC // 2, step, 0)
    pltpu.make_async_copy(dst_hbm.at[base], idx_v[0], sem_i[0]).wait()
    pltpu.sync_copy(ones_v, deg_sh.at[idx_v[0]], add=True)
    plsc.subcore_barrier()
    pltpu.sync_copy(deg_sh.at[pl.ds(sid * RPT, RPT)],
                    out_hbm.at[cid, pl.ds(sid * RPT, RPT)])


@functools.partial(
    pl.kernel,
    out_type=jax.ShapeDtypeStruct((NC, NPAD, D), jnp.float32),
    mesh=_mesh,
    scratch_types=[
        [pltpu.VMEM((CHUNK,), jnp.int32) for _ in range(2)],
        [pltpu.VMEM((CHUNK,), jnp.int32) for _ in range(2)],
        [pltpu.VMEM((CHUNK, D), jnp.float32) for _ in range(2)],
        pltpu.VMEM_SHARED((NPAD, D), jnp.float32),
        [pltpu.SemaphoreType.DMA for _ in range(2)],
        [pltpu.SemaphoreType.DMA for _ in range(2)],
    ],
)
def _agg_kernel(g_hbm, src_hbm, dst_hbm, zeros_hbm, out_hbm,
                src_v, dst_v, rows_v, s_sh, sem_i, sem_g):
    cid = lax.axis_index("c")
    sid = lax.axis_index("s")
    nc = lax.select(cid == 0, AC0, AC1)
    base = lax.select(cid == 0, sid * AC0, NS * AC0 + sid * AC1)
    pltpu.sync_copy(zeros_hbm, s_sh.at[pl.ds(sid * RPT, RPT)])

    def stage(c, b):
        pltpu.async_copy(src_hbm.at[base + c], src_v[b], sem_i[b])
        pltpu.async_copy(dst_hbm.at[base + c], dst_v[b], sem_i[b])

    def wait_stage(b):
        pltpu.make_async_copy(src_hbm.at[base], src_v[b], sem_i[b]).wait()
        pltpu.make_async_copy(dst_hbm.at[base], dst_v[b], sem_i[b]).wait()

    def gather(c, b):
        pltpu.async_copy(g_hbm.at[src_v[b]], rows_v[b], sem_g[b])

    def wait_gather(b):
        pltpu.make_async_copy(g_hbm.at[src_v[b]], rows_v[b], sem_g[b]).wait()

    stage(0, 0)
    stage(1, 1)
    plsc.subcore_barrier()
    wait_stage(0)
    gather(0, 0)

    def step(i, carry):
        for b in range(2):
            c = 2 * i + b
            nb = 1 - b

            @pl.when(c < nc)
            def _():
                @pl.when(c + 1 < nc)
                def _():
                    wait_stage(nb)
                    gather(c + 1, nb)

                wait_gather(b)
                pltpu.sync_copy(rows_v[b], s_sh.at[dst_v[b]], add=True)

                @pl.when(c + 2 < nc)
                def _():
                    stage(c + 2, b)
        return carry

    lax.fori_loop(0, ACMAX // 2, step, 0)
    plsc.subcore_barrier()
    pltpu.sync_copy(s_sh.at[pl.ds(sid * RPT, RPT)],
                    out_hbm.at[cid, pl.ds(sid * RPT, RPT)])


_R = 1280


def _dinv_of(dp):
    deg = 1.0 + dp[0, :, :1] + dp[1, :, :1]
    return lax.rsqrt(deg)


def _pre_body(x_ref, w_ref, dp_ref, h_ref, g_ref):
    dinv = _dinv_of(dp_ref[...])
    h = jnp.dot(x_ref[...], w_ref[...], preferred_element_type=jnp.float32)
    h_ref[...] = h
    g_ref[...] = h * dinv


def _mid_body(s_ref, h_ref, dp_ref, b_ref, w_ref, h2_ref, g2_ref):
    i = pl.program_id(0)
    dinv = _dinv_of(dp_ref[...])
    s = s_ref[0] + s_ref[1]
    pre = dinv * s + dinv * dinv * h_ref[...] + b_ref[...]
    rows = i * _R + lax.broadcasted_iota(jnp.int32, (_R, 1), 0)
    a = jnp.where(rows < N, jnp.maximum(pre, 0.0), 0.0)
    h2 = jnp.dot(a, w_ref[...], preferred_element_type=jnp.float32)
    h2_ref[...] = h2
    g2_ref[...] = h2 * dinv


def _post_body(s_ref, h_ref, dp_ref, b_ref, out_ref):
    dinv = _dinv_of(dp_ref[...])
    s = s_ref[0] + s_ref[1]
    pre = dinv * s + dinv * dinv * h_ref[...] + b_ref[...]
    out_ref[...] = jnp.maximum(pre, 0.0)


_spec_rows = pl.BlockSpec((_R, D), lambda i: (i, 0))
_spec_w = pl.BlockSpec((D, D), lambda i: (0, 0))
_spec_dp = pl.BlockSpec((2, _R, D), lambda i: (0, i, 0))
_spec_s = pl.BlockSpec((2, _R, D), lambda i: (0, i, 0))
_spec_b = pl.BlockSpec((1, D), lambda i: (0, 0))
_grid = (NPAD // _R,)
_f32 = jnp.float32


def _tc_pre(x, w1, dp):
    return pl.pallas_call(
        _pre_body, grid=_grid,
        in_specs=[_spec_rows, _spec_w, _spec_dp],
        out_specs=[_spec_rows, _spec_rows],
        out_shape=[jax.ShapeDtypeStruct((NPAD, D), _f32)] * 2,
    )(x, w1, dp)


def _tc_mid(s, h, dp, b1, w2):
    return pl.pallas_call(
        _mid_body, grid=_grid,
        in_specs=[_spec_s, _spec_rows, _spec_dp, _spec_b, _spec_w],
        out_specs=[_spec_rows, _spec_rows],
        out_shape=[jax.ShapeDtypeStruct((NPAD, D), _f32)] * 2,
    )(s, h, dp, b1, w2)


def _tc_post(s, h, dp, b2):
    return pl.pallas_call(
        _post_body, grid=_grid,
        in_specs=[_spec_s, _spec_rows, _spec_dp, _spec_b],
        out_specs=_spec_rows,
        out_shape=jax.ShapeDtypeStruct((NPAD, D), _f32),
    )(s, h, dp, b2)


def kernel(x, edge_index, W1, b1, W2, b2):
    src = edge_index[0].astype(jnp.int32)
    dst = edge_index[1].astype(jnp.int32)
    pad = jnp.full((EPAD - E,), N, dtype=jnp.int32)
    src_r = jnp.concatenate([src, pad]).reshape(CT, CHUNK)
    dst_r = jnp.concatenate([dst, pad]).reshape(CT, CHUNK)

    x_pad = jnp.pad(x, ((0, NPAD - N), (0, 0)))
    ones128 = jnp.ones((CHUNK, D), jnp.float32)
    zeros128 = jnp.zeros((RPT, D), jnp.float32)
    b1r = b1.reshape(1, D)
    b2r = b2.reshape(1, D)

    dp = _deg_kernel(dst_r, ones128, zeros128)
    h1, g1 = _tc_pre(x_pad, W1, dp)
    s1 = _agg_kernel(g1, src_r, dst_r, zeros128)
    h2, g2 = _tc_mid(s1, h1, dp, b1r, W2)
    s2 = _agg_kernel(g2, src_r, dst_r, zeros128)
    out = _tc_post(s2, h2, dp, b2r)
    return (out[:N], edge_index)

# --- scband reference (transcript-rebuilt; emitter-appended) ---
"""Pipeline reference for scband-gembed-net-88064009437952 (READ-ONLY COPY).

The authoritative reference and input builder live on the scoring server;
editing this copy changes nothing except your own understanding.
"""

import jax, jax.numpy as jnp
import numpy as np

N = 10000
E = 320000
D_IN = 128
D_H = 128


def setup_inputs(seed: int = 0) -> dict:
    key = jax.random.key(seed)
    k1, k2, k3, k4, k5, k6 = jax.random.split(key, 6)
    x = jax.random.normal(k1, (N, D_IN), dtype=jnp.float32)
    edge_index = jax.random.randint(k2, (2, E), 0, N, dtype=jnp.int32)
    # GCNConv parameters (glorot-style init for weights, zeros for bias, as in PyG)
    W1 = jax.random.normal(k3, (D_IN, D_H), dtype=jnp.float32) * (1.0 / np.sqrt(D_IN))
    b1 = jnp.zeros((D_H,), dtype=jnp.float32)
    W2 = jax.random.normal(k4, (D_H, D_H), dtype=jnp.float32) * (1.0 / np.sqrt(D_H))
    b2 = jnp.zeros((D_H,), dtype=jnp.float32)
    return {"x": x, "edge_index": edge_index, "W1": W1, "b1": b1, "W2": W2, "b2": b2}


def gcn_conv(x, edge_index, W, b):
    """Faithful PyG GCNConv: add self-loops, sym-normalize, linear, scatter-add aggregate."""
    n = x.shape[0]
    loop = jnp.arange(n, dtype=edge_index.dtype)
    src = jnp.concatenate([edge_index[0], loop])  # row / source (message origin)
    dst = jnp.concatenate([edge_index[1], loop])  # col / target (aggregation site)
    ew = jnp.ones(src.shape[0], dtype=x.dtype)
    deg = jnp.zeros((n,), dtype=x.dtype).at[dst].add(ew)
    deg_inv_sqrt = jnp.where(deg > 0, jax.lax.rsqrt(jnp.maximum(deg, 1e-12)), 0.0)
    norm = deg_inv_sqrt[src] * deg_inv_sqrt[dst]
    h = x @ W
    msg = h[src] * norm[:, None]
    out = jnp.zeros((n, W.shape[1]), dtype=x.dtype).at[dst].add(msg)
    return out + b


def reference(x, edge_index, W1, b1, W2, b2):
    h = jax.nn.relu(gcn_conv(x, edge_index, W1, b1))
    h = jax.nn.relu(gcn_conv(h, edge_index, W2, b2))
    # pooling=False, so forward returns (x, edge_index) unchanged by the pool
    return (h, edge_index)

if __name__ == "__main__":
    import jax
    _d = setup_inputs()
    print(jax.jit(kernel)(*tuple(_d.values())))

</pallas_src>

<mosaic_0001>
#map = affine_map<(d0, d1) -> (0, 0)>
#map1 = affine_map<(d0, d1) -> (0, 0, 0)>
module attributes {stable_mosaic.version = 14 : i64} {
  func.func @_deg_kernel(%arg0: i32, %arg1: i32, %arg2: memref<2528x128xi32, #tpu.memory_space<hbm>>, %arg3: memref<128x128xf32, #tpu.memory_space<hbm>>, %arg4: memref<640x128xf32, #tpu.memory_space<hbm>>, %arg5: memref<2x10240x128xf32, #tpu.memory_space<hbm>>, %arg6: memref<128xi32, #tpu.memory_space<vmem>>, %arg7: memref<128xi32, #tpu.memory_space<vmem>>, %arg8: memref<128x128xf32, #tpu.memory_space<vmem>>, %arg9: memref<10240x128xf32, #tpu.memory_space<vmem_shared>>, %arg10: memref<!tpu.dma_semaphore, #tpu.memory_space<semaphore_mem>>, %arg11: memref<!tpu.dma_semaphore, #tpu.memory_space<semaphore_mem>>) attributes {dimension_semantics = [#tpu.dimension_semantics<core_parallel>, #tpu.dimension_semantics<subcore_parallel>], iteration_bounds = array<i64: 2, 16>, scalar_prefetch = 0 : i64, scratch_operands = 6 : i64, tpu.core_type = #tpu.core_type<sc_vector_subcore>, window_params = [{transform_indices = #map}, {transform_indices = #map}, {transform_indices = #map}, {transform_indices = #map1}]} {
    %mul3A = arith.constant 16 : i32
    %mul3A_0 = arith.muli %arg0, %mul3A : i32
    %add3A = arith.addi %mul3A_0, %arg1 : i32
    %mul3A_1 = arith.constant 79 : i32
    %mul3A_2 = arith.muli %add3A, %mul3A_1 : i32
    "tpu.region"() ({
      %run_scoped3A = tpu.sem_alloc : memref<!tpu.dma_semaphore, #tpu.memory_space<semaphore_mem>>
      tpu.enqueue_dma source(%arg3 : memref<128x128xf32, #tpu.memory_space<hbm>>) target(%arg8 : memref<128x128xf32, #tpu.memory_space<vmem>>) target_semaphore(%run_scoped3A : memref<!tpu.dma_semaphore, #tpu.memory_space<semaphore_mem>>)
      tpu.wait_dma2 semaphore(%run_scoped3A : memref<!tpu.dma_semaphore, #tpu.memory_space<semaphore_mem>>) src(%arg3 : memref<128x128xf32, #tpu.memory_space<hbm>>) dst(%arg8 : memref<128x128xf32, #tpu.memory_space<vmem>>)
      tpu.yield
    }) : () -> ()
    %mul3A_3 = arith.constant 640 : i32
    %mul3A_4 = arith.muli %arg1, %mul3A_3 : i32
    "tpu.region"() ({
      %run_scoped3A = tpu.sem_alloc : memref<!tpu.dma_semaphore, #tpu.memory_space<semaphore_mem>>
      %dma_start3A_35 = arith.constant 0 : i32
      %dma_start3A_36 = tpu.memref_slice %arg9[%mul3A_4, %dma_start3A_35] : memref<10240x128xf32, #tpu.memory_space<vmem_shared>> -> memref<640x128xf32, #tpu.memory_space<vmem_shared>>
      tpu.enqueue_dma source(%arg4 : memref<640x128xf32, #tpu.memory_space<hbm>>) target(%dma_start3A_36 : memref<640x128xf32, #tpu.memory_space<vmem_shared>>) target_semaphore(%run_scoped3A : memref<!tpu.dma_semaphore, #tpu.memory_space<semaphore_mem>>)
      %dma_wait3A_37 = arith.constant 0 : i32
      %dma_wait3A_38 = tpu.memref_slice %arg9[%mul3A_4, %dma_wait3A_37] : memref<10240x128xf32, #tpu.memory_space<vmem_shared>> -> memref<640x128xf32, #tpu.memory_space<vmem_shared>>
      tpu.wait_dma2 semaphore(%run_scoped3A : memref<!tpu.dma_semaphore, #tpu.memory_space<semaphore_mem>>) src(%arg4 : memref<640x128xf32, #tpu.memory_space<hbm>>) dst(%dma_wait3A_38 : memref<640x128xf32, #tpu.memory_space<vmem_shared>>)
      tpu.yield
    }) : () -> ()
    %barrier3A = arith.constant 0 : index
    tpu.barrier barrier_id(%barrier3A)
    %add3A_5 = arith.constant 0 : i32
    %add3A_6 = arith.addi %mul3A_2, %add3A_5 : i32
    %dma_start3A = arith.constant 0 : i32
    %dma_start3A_7 = tpu.memref_slice %arg2[%add3A_6, %dma_start3A] : memref<2528x128xi32, #tpu.memory_space<hbm>> -> memref<1x128xi32, #tpu.memory_space<hbm>>
    %dma_start3A_8 = tpu.memref_squeeze %dma_start3A_7 : memref<1x128xi32, #tpu.memory_space<hbm>> -> memref<128xi32, #tpu.memory_space<hbm>>
    %dma_start3A_9 = arith.constant 0 : i32
    %dma_start3A_10 = tpu.memref_slice %arg2[%add3A_6, %dma_start3A_9] : memref<2528x128xi32, #tpu.memory_space<hbm>> -> memref<1x128xi32, #tpu.memory_space<hbm>>
    %dma_start3A_11 = tpu.memref_squeeze %dma_start3A_10 : memref<1x128xi32, #tpu.memory_space<hbm>> -> memref<128xi32, #tpu.memory_space<hbm>>
    tpu.enqueue_dma source(%dma_start3A_11 : memref<128xi32, #tpu.memory_space<hbm>>) target(%arg6 : memref<128xi32, #tpu.memory_space<vmem>>) target_semaphore(%arg10 : memref<!tpu.dma_semaphore, #tpu.memory_space<semaphore_mem>>)
    %add3A_12 = arith.constant 1 : i32
    %add3A_13 = arith.addi %mul3A_2, %add3A_12 : i32
    %dma_start3A_14 = arith.constant 0 : i32
    %dma_start3A_15 = tpu.memref_slice %arg2[%add3A_13, %dma_start3A_14] : memref<2528x128xi32, #tpu.memory_space<hbm>> -> memref<1x128xi32, #tpu.memory_space<hbm>>
    %dma_start3A_16 = tpu.memref_squeeze %dma_start3A_15 : memref<1x128xi32, #tpu.memory_space<hbm>> -> memref<128xi32, #tpu.memory_space<hbm>>
    %dma_start3A_17 = arith.constant 0 : i32
    %dma_start3A_18 = tpu.memref_slice %arg2[%add3A_13, %dma_start3A_17] : memref<2528x128xi32, #tpu.memory_space<hbm>> -> memref<1x128xi32, #tpu.memory_space<hbm>>
    %dma_start3A_19 = tpu.memref_squeeze %dma_start3A_18 : memref<1x128xi32, #tpu.memory_space<hbm>> -> memref<128xi32, #tpu.memory_space<hbm>>
    tpu.enqueue_dma source(%dma_start3A_19 : memref<128xi32, #tpu.memory_space<hbm>>) target(%arg7 : memref<128xi32, #tpu.memory_space<vmem>>) target_semaphore(%arg11 : memref<!tpu.dma_semaphore, #tpu.memory_space<semaphore_mem>>)
    %scan3A = arith.constant 0 : i32
    %scan3A_20 = arith.constant 0 : i32
    %scan3A_21 = arith.constant 39 : i32
    %scan3A_22 = arith.addi %scan3A_20, %scan3A_21 : i32
    %scan3A_23 = arith.constant 1 : i32
    scf.for %scan3A_35 = %scan3A_20 to %scan3A_22 step %scan3A_23  : i32 {
      %mul3A_36 = arith.constant 2 : i32
      %mul3A_37 = arith.muli %mul3A_36, %scan3A_35 : i32
      %add3A_38 = arith.constant 0 : i32
      %add3A_39 = arith.addi %mul3A_37, %add3A_38 : i32
      %dma_wait3A_40 = arith.constant 0 : i32
      %dma_wait3A_41 = tpu.memref_slice %arg2[%mul3A_2, %dma_wait3A_40] : memref<2528x128xi32, #tpu.memory_space<hbm>> -> memref<1x128xi32, #tpu.memory_space<hbm>>
      %dma_wait3A_42 = tpu.memref_squeeze %dma_wait3A_41 : memref<1x128xi32, #tpu.memory_space<hbm>> -> memref<128xi32, #tpu.memory_space<hbm>>
      %dma_wait3A_43 = arith.constant 0 : i32
      %dma_wait3A_44 = tpu.memref_slice %arg2[%mul3A_2, %dma_wait3A_43] : memref<2528x128xi32, #tpu.memory_space<hbm>> -> memref<1x128xi32, #tpu.memory_space<hbm>>
      %dma_wait3A_45 = tpu.memref_squeeze %dma_wait3A_44 : memref<1x128xi32, #tpu.memory_space<hbm>> -> memref<128xi32, #tpu.memory_space<hbm>>
      tpu.wait_dma2 semaphore(%arg10 : memref<!tpu.dma_semaphore, #tpu.memory_space<semaphore_mem>>) src(%dma_wait3A_45 : memref<128xi32, #tpu.memory_space<hbm>>) dst(%arg6 : memref<128xi32, #tpu.memory_space<vmem>>)
      "tpu.region"() ({
        %run_scoped3A = tpu.sem_alloc : memref<!tpu.dma_semaphore, #tpu.memory_space<semaphore_mem>>
        %dma_start3A_67 = arith.constant 0 : i32
        %dma_start3A_68 = arith.constant 0 : i32
        %dma_start3A_69 = tpu.memref_slice %arg9[%dma_start3A_67, %dma_start3A_68] : memref<10240x128xf32, #tpu.memory_space<vmem_shared>> -> memref<10240x128xf32, #tpu.memory_space<vmem_shared>>
        tpu.enqueue_indirect_dma source(%arg8 : memref<128x128xf32, #tpu.memory_space<vmem>>) target(%dma_start3A_69 : memref<10240x128xf32, #tpu.memory_space<vmem_shared>>) offsets(%arg6 : memref<128xi32, #tpu.memory_space<vmem>>) semaphore(%run_scoped3A : memref<!tpu.dma_semaphore, #tpu.memory_space<semaphore_mem>>) {add = true}
        %dma_wait3A_70 = arith.constant 0 : i32
        %dma_wait3A_71 = arith.constant 0 : i32
        %dma_wait3A_72 = tpu.memref_slice %arg9[%dma_wait3A_70, %dma_wait3A_71] : memref<10240x128xf32, #tpu.memory_space<vmem_shared>> -> memref<10240x128xf32, #tpu.memory_space<vmem_shared>>
        tpu.wait_indirect_dma semaphore(%run_scoped3A : memref<!tpu.dma_semaphore, #tpu.memory_space<semaphore_mem>>) src(%arg8 : memref<128x128xf32, #tpu.memory_space<vmem>>) dst(%dma_wait3A_72 : memref<10240x128xf32, #tpu.memory_space<vmem_shared>>)
        tpu.yield
      }) : () -> ()
      %add3A_46 = arith.constant 2 : i32
      %add3A_47 = arith.addi %add3A_39, %add3A_46 : i32
      %lt3A = arith.constant 79 : i32
      %lt3A_48 = arith.cmpi slt, %add3A_47, %lt3A : i32
      %convert_element_type3A = arith.extui %lt3A_48 : i1 to i32
      %cond3A = arith.constant 0 : i32
      %cond3A_49 = arith.cmpi ne, %convert_element_type3A, %cond3A : i32
      scf.if %cond3A_49 {
        %add3A_67 = arith.addi %mul3A_2, %add3A_39 : i32
        %add3A_68 = arith.constant 2 : i32
        %add3A_69 = arith.addi %add3A_67, %add3A_68 : i32
        %dma_start3A_70 = arith.constant 0 : i32
        %dma_start3A_71 = tpu.memref_slice %arg2[%add3A_69, %dma_start3A_70] : memref<2528x128xi32, #tpu.memory_space<hbm>> -> memref<1x128xi32, #tpu.memory_space<hbm>>
        %dma_start3A_72 = tpu.memref_squeeze %dma_start3A_71 : memref<1x128xi32, #tpu.memory_space<hbm>> -> memref<128xi32, #tpu.memory_space<hbm>>
        %dma_start3A_73 = arith.constant 0 : i32
        %dma_start3A_74 = tpu.memref_slice %arg2[%add3A_69, %dma_start3A_73] : memref<2528x128xi32, #tpu.memory_space<hbm>> -> memref<1x128xi32, #tpu.memory_space<hbm>>
        %dma_start3A_75 = tpu.memref_squeeze %dma_start3A_74 : memref<1x128xi32, #tpu.memory_space<hbm>> -> memref<128xi32, #tpu.memory_space<hbm>>
        tpu.enqueue_dma source(%dma_start3A_75 : memref<128xi32, #tpu.memory_space<hbm>>) target(%arg6 : memref<128xi32, #tpu.memory_space<vmem>>) target_semaphore(%arg10 : memref<!tpu.dma_semaphore, #tpu.memory_space<semaphore_mem>>)
      } else {
      }
      %mul3A_50 = arith.constant 2 : i32
      %mul3A_51 = arith.muli %mul3A_50, %scan3A_35 : i32
      %add3A_52 = arith.constant 1 : i32
      %add3A_53 = arith.addi %mul3A_51, %add3A_52 : i32
      %dma_wait3A_54 = arith.constant 0 : i32
      %dma_wait3A_55 = tpu.memref_slice %arg2[%mul3A_2, %dma_wait3A_54] : memref<2528x128xi32, #tpu.memory_space<hbm>> -> memref<1x128xi32, #tpu.memory_space<hbm>>
      %dma_wait3A_56 = tpu.memref_squeeze %dma_wait3A_55 : memref<1x128xi32, #tpu.memory_space<hbm>> -> memref<128xi32, #tpu.memory_space<hbm>>
      %dma_wait3A_57 = arith.constant 0 : i32
      %dma_wait3A_58 = tpu.memref_slice %arg2[%mul3A_2, %dma_wait3A_57] : memref<2528x128xi32, #tpu.memory_space<hbm>> -> memref<1x128xi32, #tpu.memory_space<hbm>>
      %dma_wait3A_59 = tpu.memref_squeeze %dma_wait3A_58 : memref<1x128xi32, #tpu.memory_space<hbm>> -> memref<128xi32, #tpu.memory_space<hbm>>
      tpu.wait_dma2 semaphore(%arg11 : memref<!tpu.dma_semaphore, #tpu.memory_space<semaphore_mem>>) src(%dma_wait3A_59 : memref<128xi32, #tpu.memory_space<hbm>>) dst(%arg7 : memref<128xi32, #tpu.memory_space<vmem>>)
      "tpu.region"() ({
        %run_scoped3A = tpu.sem_alloc : memref<!tpu.dma_semaphore, #tpu.memory_space<semaphore_mem>>
        %dma_start3A_67 = arith.constant 0 : i32
        %dma_start3A_68 = arith.constant 0 : i32
        %dma_start3A_69 = tpu.memref_slice %arg9[%dma_start3A_67, %dma_start3A_68] : memref<10240x128xf32, #tpu.memory_space<vmem_shared>> -> memref<10240x128xf32, #tpu.memory_space<vmem_shared>>
        tpu.enqueue_indirect_dma source(%arg8 : memref<128x128xf32, #tpu.memory_space<vmem>>) target(%dma_start3A_69 : memref<10240x128xf32, #tpu.memory_space<vmem_shared>>) offsets(%arg7 : memref<128xi32, #tpu.memory_space<vmem>>) semaphore(%run_scoped3A : memref<!tpu.dma_semaphore, #tpu.memory_space<semaphore_mem>>) {add = true}
        %dma_wait3A_70 = arith.constant 0 : i32
        %dma_wait3A_71 = arith.constant 0 : i32
        %dma_wait3A_72 = tpu.memref_slice %arg9[%dma_wait3A_70, %dma_wait3A_71] : memref<10240x128xf32, #tpu.memory_space<vmem_shared>> -> memref<10240x128xf32, #tpu.memory_space<vmem_shared>>
        tpu.wait_indirect_dma semaphore(%run_scoped3A : memref<!tpu.dma_semaphore, #tpu.memory_space<semaphore_mem>>) src(%arg8 : memref<128x128xf32, #tpu.memory_space<vmem>>) dst(%dma_wait3A_72 : memref<10240x128xf32, #tpu.memory_space<vmem_shared>>)
        tpu.yield
      }) : () -> ()
      %add3A_60 = arith.constant 2 : i32
      %add3A_61 = arith.addi %add3A_53, %add3A_60 : i32
      %lt3A_62 = arith.constant 79 : i32
      %lt3A_63 = arith.cmpi slt, %add3A_61, %lt3A_62 : i32
      %convert_element_type3A_64 = arith.extui %lt3A_63 : i1 to i32
      %cond3A_65 = arith.constant 0 : i32
      %cond3A_66 = arith.cmpi ne, %convert_element_type3A_64, %cond3A_65 : i32
      scf.if %cond3A_66 {
        %add3A_67 = arith.addi %mul3A_2, %add3A_53 : i32
        %add3A_68 = arith.constant 2 : i32
        %add3A_69 = arith.addi %add3A_67, %add3A_68 : i32
        %dma_start3A_70 = arith.constant 0 : i32
        %dma_start3A_71 = tpu.memref_slice %arg2[%add3A_69, %dma_start3A_70] : memref<2528x128xi32, #tpu.memory_space<hbm>> -> memref<1x128xi32, #tpu.memory_space<hbm>>
        %dma_start3A_72 = tpu.memref_squeeze %dma_start3A_71 : memref<1x128xi32, #tpu.memory_space<hbm>> -> memref<128xi32, #tpu.memory_space<hbm>>
        %dma_start3A_73 = arith.constant 0 : i32
        %dma_start3A_74 = tpu.memref_slice %arg2[%add3A_69, %dma_start3A_73] : memref<2528x128xi32, #tpu.memory_space<hbm>> -> memref<1x128xi32, #tpu.memory_space<hbm>>
        %dma_start3A_75 = tpu.memref_squeeze %dma_start3A_74 : memref<1x128xi32, #tpu.memory_space<hbm>> -> memref<128xi32, #tpu.memory_space<hbm>>
        tpu.enqueue_dma source(%dma_start3A_75 : memref<128xi32, #tpu.memory_space<hbm>>) target(%arg7 : memref<128xi32, #tpu.memory_space<vmem>>) target_semaphore(%arg11 : memref<!tpu.dma_semaphore, #tpu.memory_space<semaphore_mem>>)
      } else {
      }
    }
    %scan3A_24 = arith.constant 39 : i32
    %dma_wait3A = arith.constant 0 : i32
    %dma_wait3A_25 = tpu.memref_slice %arg2[%mul3A_2, %dma_wait3A] : memref<2528x128xi32, #tpu.memory_space<hbm>> -> memref<1x128xi32, #tpu.memory_space<hbm>>
    %dma_wait3A_26 = tpu.memref_squeeze %dma_wait3A_25 : memref<1x128xi32, #tpu.memory_space<hbm>> -> memref<128xi32, #tpu.memory_space<hbm>>
    %dma_wait3A_27 = arith.constant 0 : i32
    %dma_wait3A_28 = tpu.memref_slice %arg2[%mul3A_2, %dma_wait3A_27] : memref<2528x128xi32, #tpu.memory_space<hbm>> -> memref<1x128xi32, #tpu.memory_space<hbm>>
    %dma_wait3A_29 = tpu.memref_squeeze %dma_wait3A_28 : memref<1x128xi32, #tpu.memory_space<hbm>> -> memref<128xi32, #tpu.memory_space<hbm>>
    tpu.wait_dma2 semaphore(%arg10 : memref<!tpu.dma_semaphore, #tpu.memory_space<semaphore_mem>>) src(%dma_wait3A_29 : memref<128xi32, #tpu.memory_space<hbm>>) dst(%arg6 : memref<128xi32, #tpu.memory_space<vmem>>)
    "tpu.region"() ({
      %run_scoped3A = tpu.sem_alloc : memref<!tpu.dma_semaphore, #tpu.memory_space<semaphore_mem>>
      %dma_start3A_35 = arith.constant 0 : i32
      %dma_start3A_36 = arith.constant 0 : i32
      %dma_start3A_37 = tpu.memref_slice %arg9[%dma_start3A_35, %dma_start3A_36] : memref<10240x128xf32, #tpu.memory_space<vmem_shared>> -> memref<10240x128xf32, #tpu.memory_space<vmem_shared>>
      tpu.enqueue_indirect_dma source(%arg8 : memref<128x128xf32, #tpu.memory_space<vmem>>) target(%dma_start3A_37 : memref<10240x128xf32, #tpu.memory_space<vmem_shared>>) offsets(%arg6 : memref<128xi32, #tpu.memory_space<vmem>>) semaphore(%run_scoped3A : memref<!tpu.dma_semaphore, #tpu.memory_space<semaphore_mem>>) {add = true}
      %dma_wait3A_38 = arith.constant 0 : i32
      %dma_wait3A_39 = arith.constant 0 : i32
      %dma_wait3A_40 = tpu.memref_slice %arg9[%dma_wait3A_38, %dma_wait3A_39] : memref<10240x128xf32, #tpu.memory_space<vmem_shared>> -> memref<10240x128xf32, #tpu.memory_space<vmem_shared>>
      tpu.wait_indirect_dma semaphore(%run_scoped3A : memref<!tpu.dma_semaphore, #tpu.memory_space<semaphore_mem>>) src(%arg8 : memref<128x128xf32, #tpu.memory_space<vmem>>) dst(%dma_wait3A_40 : memref<10240x128xf32, #tpu.memory_space<vmem_shared>>)
      tpu.yield
    }) : () -> ()
    %barrier3A_30 = arith.constant 0 : index
    tpu.barrier barrier_id(%barrier3A_30)
    %mul3A_31 = arith.constant 640 : i32
    %mul3A_32 = arith.muli %arg1, %mul3A_31 : i32
    %mul3A_33 = arith.constant 640 : i32
    %mul3A_34 = arith.muli %arg1, %mul3A_33 : i32
    "tpu.region"() ({
      %run_scoped3A = tpu.sem_alloc : memref<!tpu.dma_semaphore, #tpu.memory_space<semaphore_mem>>
      %dma_start3A_35 = arith.constant 0 : i32
      %dma_start3A_36 = tpu.memref_slice %arg5[%arg0, %mul3A_34, %dma_start3A_35] : memref<2x10240x128xf32, #tpu.memory_space<hbm>> -> memref<1x640x128xf32, #tpu.memory_space<hbm>>
      %dma_start3A_37 = tpu.memref_squeeze %dma_start3A_36 : memref<1x640x128xf32, #tpu.memory_space<hbm>> -> memref<640x128xf32, #tpu.memory_space<hbm>>
      %dma_start3A_38 = arith.constant 0 : i32
      %dma_start3A_39 = tpu.memref_slice %arg9[%mul3A_32, %dma_start3A_38] : memref<10240x128xf32, #tpu.memory_space<vmem_shared>> -> memref<640x128xf32, #tpu.memory_space<vmem_shared>>
      tpu.enqueue_dma source(%dma_start3A_39 : memref<640x128xf32, #tpu.memory_space<vmem_shared>>) target(%dma_start3A_37 : memref<640x128xf32, #tpu.memory_space<hbm>>) target_semaphore(%run_scoped3A : memref<!tpu.dma_semaphore, #tpu.memory_space<semaphore_mem>>)
      %dma_wait3A_40 = arith.constant 0 : i32
      %dma_wait3A_41 = tpu.memref_slice %arg5[%arg0, %mul3A_34, %dma_wait3A_40] : memref<2x10240x128xf32, #tpu.memory_space<hbm>> -> memref<1x640x128xf32, #tpu.memory_space<hbm>>
      %dma_wait3A_42 = tpu.memref_squeeze %dma_wait3A_41 : memref<1x640x128xf32, #tpu.memory_space<hbm>> -> memref<640x128xf32, #tpu.memory_space<hbm>>
      %dma_wait3A_43 = arith.constant 0 : i32
      %dma_wait3A_44 = tpu.memref_slice %arg9[%mul3A_32, %dma_wait3A_43] : memref<10240x128xf32, #tpu.memory_space<vmem_shared>> -> memref<640x128xf32, #tpu.memory_space<vmem_shared>>
      tpu.wait_dma2 semaphore(%run_scoped3A : memref<!tpu.dma_semaphore, #tpu.memory_space<semaphore_mem>>) src(%dma_wait3A_44 : memref<640x128xf32, #tpu.memory_space<vmem_shared>>) dst(%dma_wait3A_42 : memref<640x128xf32, #tpu.memory_space<hbm>>)
      tpu.yield
    }) : () -> ()
    return
  }
}

#map = affine_map<(d0, d1) -> (0, 0)>
#map1 = affine_map<(d0, d1) -> (0, 0, 0)>
module attributes {stable_mosaic.version = 14 : i64} {
  func.func @_agg_kernel(%arg0: i32, %arg1: i32, %arg2: memref<10240x128xf32, #tpu.memory_space<hbm>>, %arg3: memref<2528x128xi32, #tpu.memory_space<hbm>>, %arg4: memref<2528x128xi32, #tpu.memory_space<hbm>>, %arg5: memref<640x128xf32, #tpu.memory_space<hbm>>, %arg6: memref<2x10240x128xf32, #tpu.memory_space<hbm>>, %arg7: memref<128xi32, #tpu.memory_space<vmem>>, %arg8: memref<128xi32, #tpu.memory_space<vmem>>, %arg9: memref<128xi32, #tpu.memory_space<vmem>>, %arg10: memref<128xi32, #tpu.memory_space<vmem>>, %arg11: memref<128x128xf32, #tpu.memory_space<vmem>>, %arg12: memref<128x128xf32, #tpu.memory_space<vmem>>, %arg13: memref<10240x128xf32, #tpu.memory_space<vmem_shared>>, %arg14: memref<!tpu.dma_semaphore, #tpu.memory_space<semaphore_mem>>, %arg15: memref<!tpu.dma_semaphore, #tpu.memory_space<semaphore_mem>>, %arg16: memref<!tpu.dma_semaphore, #tpu.memory_space<semaphore_mem>>, %arg17: memref<!tpu.dma_semaphore, #tpu.memory_space<semaphore_mem>>) attributes {dimension_semantics = [#tpu.dimension_semantics<core_parallel>, #tpu.dimension_semantics<subcore_parallel>], iteration_bounds = array<i64: 2, 16>, scalar_prefetch = 0 : i64, scratch_operands = 11 : i64, tpu.core_type = #tpu.core_type<sc_vector_subcore>, window_params = [{transform_indices = #map}, {transform_indices = #map}, {transform_indices = #map}, {transform_indices = #map}, {transform_indices = #map1}]} {
    %eq3A = arith.constant 0 : i32
    %eq3A_0 = arith.cmpi eq, %arg0, %eq3A : i32
    %select_n3A = arith.constant 24 : i32
    %select_n3A_1 = arith.constant 134 : i32
    %select_n3A_2 = arith.select %eq3A_0, %select_n3A_1, %select_n3A : i32
    %eq3A_3 = arith.constant 0 : i32
    %eq3A_4 = arith.cmpi eq, %arg0, %eq3A_3 : i32
    %mul3A = arith.constant 134 : i32
    %mul3A_5 = arith.muli %arg1, %mul3A : i32
    %mul3A_6 = arith.constant 24 : i32
    %mul3A_7 = arith.muli %arg1, %mul3A_6 : i32
    %add3A = arith.constant 2144 : i32
    %add3A_8 = arith.addi %add3A, %mul3A_7 : i32
    %select_n3A_9 = arith.select %eq3A_4, %mul3A_5, %add3A_8 : i32
    %mul3A_10 = arith.constant 640 : i32
    %mul3A_11 = arith.muli %arg1, %mul3A_10 : i32
    "tpu.region"() ({
      %run_scoped3A = tpu.sem_alloc : memref<!tpu.dma_semaphore, #tpu.memory_space<semaphore_mem>>
      %dma_start3A_67 = arith.constant 0 : i32
      %dma_start3A_68 = tpu.memref_slice %arg13[%mul3A_11, %dma_start3A_67] : memref<10240x128xf32, #tpu.memory_space<vmem_shared>> -> memref<640x128xf32, #tpu.memory_space<vmem_shared>>
      tpu.enqueue_dma source(%arg5 : memref<640x128xf32, #tpu.memory_space<hbm>>) target(%dma_start3A_68 : memref<640x128xf32, #tpu.memory_space<vmem_shared>>) target_semaphore(%run_scoped3A : memref<!tpu.dma_semaphore, #tpu.memory_space<semaphore_mem>>)
      %dma_wait3A_69 = arith.constant 0 : i32
      %dma_wait3A_70 = tpu.memref_slice %arg13[%mul3A_11, %dma_wait3A_69] : memref<10240x128xf32, #tpu.memory_space<vmem_shared>> -> memref<640x128xf32, #tpu.memory_space<vmem_shared>>
      tpu.wait_dma2 semaphore(%run_scoped3A : memref<!tpu.dma_semaphore, #tpu.memory_space<semaphore_mem>>) src(%arg5 : memref<640x128xf32, #tpu.memory_space<hbm>>) dst(%dma_wait3A_70 : memref<640x128xf32, #tpu.memory_space<vmem_shared>>)
      tpu.yield
    }) : () -> ()
    %add3A_12 = arith.constant 0 : i32
    %add3A_13 = arith.addi %select_n3A_9, %add3A_12 : i32
    %dma_start3A = arith.constant 0 : i32
    %dma_start3A_14 = tpu.memref_slice %arg3[%add3A_13, %dma_start3A] : memref<2528x128xi32, #tpu.memory_space<hbm>> -> memref<1x128xi32, #tpu.memory_space<hbm>>
    %dma_start3A_15 = tpu.memref_squeeze %dma_start3A_14 : memref<1x128xi32, #tpu.memory_space<hbm>> -> memref<128xi32, #tpu.memory_space<hbm>>
    %dma_start3A_16 = arith.constant 0 : i32
    %dma_start3A_17 = tpu.memref_slice %arg3[%add3A_13, %dma_start3A_16] : memref<2528x128xi32, #tpu.memory_space<hbm>> -> memref<1x128xi32, #tpu.memory_space<hbm>>
    %dma_start3A_18 = tpu.memref_squeeze %dma_start3A_17 : memref<1x128xi32, #tpu.memory_space<hbm>> -> memref<128xi32, #tpu.memory_space<hbm>>
    tpu.enqueue_dma source(%dma_start3A_18 : memref<128xi32, #tpu.memory_space<hbm>>) target(%arg7 : memref<128xi32, #tpu.memory_space<vmem>>) target_semaphore(%arg14 : memref<!tpu.dma_semaphore, #tpu.memory_space<semaphore_mem>>)
    %add3A_19 = arith.constant 0 : i32
    %add3A_20 = arith.addi %select_n3A_9, %add3A_19 : i32
    %dma_start3A_21 = arith.constant 0 : i32
    %dma_start3A_22 = tpu.memref_slice %arg4[%add3A_20, %dma_start3A_21] : memref<2528x128xi32, #tpu.memory_space<hbm>> -> memref<1x128xi32, #tpu.memory_space<hbm>>
    %dma_start3A_23 = tpu.memref_squeeze %dma_start3A_22 : memref<1x128xi32, #tpu.memory_space<hbm>> -> memref<128xi32, #tpu.memory_space<hbm>>
    %dma_start3A_24 = arith.constant 0 : i32
    %dma_start3A_25 = tpu.memref_slice %arg4[%add3A_20, %dma_start3A_24] : memref<2528x128xi32, #tpu.memory_space<hbm>> -> memref<1x128xi32, #tpu.memory_space<hbm>>
    %dma_start3A_26 = tpu.memref_squeeze %dma_start3A_25 : memref<1x128xi32, #tpu.memory_space<hbm>> -> memref<128xi32, #tpu.memory_space<hbm>>
    tpu.enqueue_dma source(%dma_start3A_26 : memref<128xi32, #tpu.memory_space<hbm>>) target(%arg9 : memref<128xi32, #tpu.memory_space<vmem>>) target_semaphore(%arg14 : memref<!tpu.dma_semaphore, #tpu.memory_space<semaphore_mem>>)
    %add3A_27 = arith.constant 1 : i32
    %add3A_28 = arith.addi %select_n3A_9, %add3A_27 : i32
    %dma_start3A_29 = arith.constant 0 : i32
    %dma_start3A_30 = tpu.memref_slice %arg3[%add3A_28, %dma_start3A_29] : memref<2528x128xi32, #tpu.memory_space<hbm>> -> memref<1x128xi32, #tpu.memory_space<hbm>>
    %dma_start3A_31 = tpu.memref_squeeze %dma_start3A_30 : memref<1x128xi32, #tpu.memory_space<hbm>> -> memref<128xi32, #tpu.memory_space<hbm>>
    %dma_start3A_32 = arith.constant 0 : i32
    %dma_start3A_33 = tpu.memref_slice %arg3[%add3A_28, %dma_start3A_32] : memref<2528x128xi32, #tpu.memory_space<hbm>> -> memref<1x128xi32, #tpu.memory_space<hbm>>
    %dma_start3A_34 = tpu.memref_squeeze %dma_start3A_33 : memref<1x128xi32, #tpu.memory_space<hbm>> -> memref<128xi32, #tpu.memory_space<hbm>>
    tpu.enqueue_dma source(%dma_start3A_34 : memref<128xi32, #tpu.memory_space<hbm>>) target(%arg8 : memref<128xi32, #tpu.memory_space<vmem>>) target_semaphore(%arg15 : memref<!tpu.dma_semaphore, #tpu.memory_space<semaphore_mem>>)
    %add3A_35 = arith.constant 1 : i32
    %add3A_36 = arith.addi %select_n3A_9, %add3A_35 : i32
    %dma_start3A_37 = arith.constant 0 : i32
    %dma_start3A_38 = tpu.memref_slice %arg4[%add3A_36, %dma_start3A_37] : memref<2528x128xi32, #tpu.memory_space<hbm>> -> memref<1x128xi32, #tpu.memory_space<hbm>>
    %dma_start3A_39 = tpu.memref_squeeze %dma_start3A_38 : memref<1x128xi32, #tpu.memory_space<hbm>> -> memref<128xi32, #tpu.memory_space<hbm>>
    %dma_start3A_40 = arith.constant 0 : i32
    %dma_start3A_41 = tpu.memref_slice %arg4[%add3A_36, %dma_start3A_40] : memref<2528x128xi32, #tpu.memory_space<hbm>> -> memref<1x128xi32, #tpu.memory_space<hbm>>
    %dma_start3A_42 = tpu.memref_squeeze %dma_start3A_41 : memref<1x128xi32, #tpu.memory_space<hbm>> -> memref<128xi32, #tpu.memory_space<hbm>>
    tpu.enqueue_dma source(%dma_start3A_42 : memref<128xi32, #tpu.memory_space<hbm>>) target(%arg10 : memref<128xi32, #tpu.memory_space<vmem>>) target_semaphore(%arg15 : memref<!tpu.dma_semaphore, #tpu.memory_space<semaphore_mem>>)
    %barrier3A = arith.constant 0 : index
    tpu.barrier barrier_id(%barrier3A)
    %dma_wait3A = arith.constant 0 : i32
    %dma_wait3A_43 = tpu.memref_slice %arg3[%select_n3A_9, %dma_wait3A] : memref<2528x128xi32, #tpu.memory_space<hbm>> -> memref<1x128xi32, #tpu.memory_space<hbm>>
    %dma_wait3A_44 = tpu.memref_squeeze %dma_wait3A_43 : memref<1x128xi32, #tpu.memory_space<hbm>> -> memref<128xi32, #tpu.memory_space<hbm>>
    %dma_wait3A_45 = arith.constant 0 : i32
    %dma_wait3A_46 = tpu.memref_slice %arg3[%select_n3A_9, %dma_wait3A_45] : memref<2528x128xi32, #tpu.memory_space<hbm>> -> memref<1x128xi32, #tpu.memory_space<hbm>>
    %dma_wait3A_47 = tpu.memref_squeeze %dma_wait3A_46 : memref<1x128xi32, #tpu.memory_space<hbm>> -> memref<128xi32, #tpu.memory_space<hbm>>
    tpu.wait_dma2 semaphore(%arg14 : memref<!tpu.dma_semaphore, #tpu.memory_space<semaphore_mem>>) src(%dma_wait3A_47 : memref<128xi32, #tpu.memory_space<hbm>>) dst(%arg7 : memref<128xi32, #tpu.memory_space<vmem>>)
    %dma_wait3A_48 = arith.constant 0 : i32
    %dma_wait3A_49 = tpu.memref_slice %arg4[%select_n3A_9, %dma_wait3A_48] : memref<2528x128xi32, #tpu.memory_space<hbm>> -> memref<1x128xi32, #tpu.memory_space<hbm>>
    %dma_wait3A_50 = tpu.memref_squeeze %dma_wait3A_49 : memref<1x128xi32, #tpu.memory_space<hbm>> -> memref<128xi32, #tpu.memory_space<hbm>>
    %dma_wait3A_51 = arith.constant 0 : i32
    %dma_wait3A_52 = tpu.memref_slice %arg4[%select_n3A_9, %dma_wait3A_51] : memref<2528x128xi32, #tpu.memory_space<hbm>> -> memref<1x128xi32, #tpu.memory_space<hbm>>
    %dma_wait3A_53 = tpu.memref_squeeze %dma_wait3A_52 : memref<1x128xi32, #tpu.memory_space<hbm>> -> memref<128xi32, #tpu.memory_space<hbm>>
    tpu.wait_dma2 semaphore(%arg14 : memref<!tpu.dma_semaphore, #tpu.memory_space<semaphore_mem>>) src(%dma_wait3A_53 : memref<128xi32, #tpu.memory_space<hbm>>) dst(%arg9 : memref<128xi32, #tpu.memory_space<vmem>>)
    %dma_start3A_54 = arith.constant 0 : i32
    %dma_start3A_55 = arith.constant 0 : i32
    %dma_start3A_56 = tpu.memref_slice %arg2[%dma_start3A_54, %dma_start3A_55] : memref<10240x128xf32, #tpu.memory_space<hbm>> -> memref<10240x128xf32, #tpu.memory_space<hbm>>
    tpu.enqueue_indirect_dma source(%dma_start3A_56 : memref<10240x128xf32, #tpu.memory_space<hbm>>) target(%arg11 : memref<128x128xf32, #tpu.memory_space<vmem>>) offsets(%arg7 : memref<128xi32, #tpu.memory_space<vmem>>) semaphore(%arg16 : memref<!tpu.dma_semaphore, #tpu.memory_space<semaphore_mem>>)
    %scan3A = arith.constant 0 : i32
    %scan3A_57 = arith.constant 0 : i32
    %scan3A_58 = arith.constant 67 : i32
    %scan3A_59 = arith.addi %scan3A_57, %scan3A_58 : i32
    %scan3A_60 = arith.constant 1 : i32
    scf.for %scan3A_67 = %scan3A_57 to %scan3A_59 step %scan3A_60  : i32 {
      %mul3A_68 = arith.constant 2 : i32
      %mul3A_69 = arith.muli %mul3A_68, %scan3A_67 : i32
      %add3A_70 = arith.constant 0 : i32
      %add3A_71 = arith.addi %mul3A_69, %add3A_70 : i32
      %lt3A = arith.cmpi slt, %add3A_71, %select_n3A_2 : i32
      %convert_element_type3A = arith.extui %lt3A : i1 to i32
      %cond3A = arith.constant 0 : i32
      %cond3A_72 = arith.cmpi ne, %convert_element_type3A, %cond3A : i32
      scf.if %cond3A_72 {
        %add3A_81 = arith.constant 1 : i32
        %add3A_82 = arith.addi %add3A_71, %add3A_81 : i32
        %lt3A_83 = arith.cmpi slt, %add3A_82, %select_n3A_2 : i32
        %convert_element_type3A_84 = arith.extui %lt3A_83 : i1 to i32
        %cond3A_85 = arith.constant 0 : i32
        %cond3A_86 = arith.cmpi ne, %convert_element_type3A_84, %cond3A_85 : i32
        scf.if %cond3A_86 {
          %dma_wait3A_96 = arith.constant 0 : i32
          %dma_wait3A_97 = tpu.memref_slice %arg3[%select_n3A_9, %dma_wait3A_96] : memref<2528x128xi32, #tpu.memory_space<hbm>> -> memref<1x128xi32, #tpu.memory_space<hbm>>
          %dma_wait3A_98 = tpu.memref_squeeze %dma_wait3A_97 : memref<1x128xi32, #tpu.memory_space<hbm>> -> memref<128xi32, #tpu.memory_space<hbm>>
          %dma_wait3A_99 = arith.constant 0 : i32
          %dma_wait3A_100 = tpu.memref_slice %arg3[%select_n3A_9, %dma_wait3A_99] : memref<2528x128xi32, #tpu.memory_space<hbm>> -> memref<1x128xi32, #tpu.memory_space<hbm>>
          %dma_wait3A_101 = tpu.memref_squeeze %dma_wait3A_100 : memref<1x128xi32, #tpu.memory_space<hbm>> -> memref<128xi32, #tpu.memory_space<hbm>>
          tpu.wait_dma2 semaphore(%arg15 : memref<!tpu.dma_semaphore, #tpu.memory_space<semaphore_mem>>) src(%dma_wait3A_101 : memref<128xi32, #tpu.memory_space<hbm>>) dst(%arg8 : memref<128xi32, #tpu.memory_space<vmem>>)
          %dma_wait3A_102 = arith.constant 0 : i32
          %dma_wait3A_103 = tpu.memref_slice %arg4[%select_n3A_9, %dma_wait3A_102] : memref<2528x128xi32, #tpu.memory_space<hbm>> -> memref<1x128xi32, #tpu.memory_space<hbm>>
          %dma_wait3A_104 = tpu.memref_squeeze %dma_wait3A_103 : memref<1x128xi32, #tpu.memory_space<hbm>> -> memref<128xi32, #tpu.memory_space<hbm>>
          %dma_wait3A_105 = arith.constant 0 : i32
          %dma_wait3A_106 = tpu.memref_slice %arg4[%select_n3A_9, %dma_wait3A_105] : memref<2528x128xi32, #tpu.memory_space<hbm>> -> memref<1x128xi32, #tpu.memory_space<hbm>>
          %dma_wait3A_107 = tpu.memref_squeeze %dma_wait3A_106 : memref<1x128xi32, #tpu.memory_space<hbm>> -> memref<128xi32, #tpu.memory_space<hbm>>
          tpu.wait_dma2 semaphore(%arg15 : memref<!tpu.dma_semaphore, #tpu.memory_space<semaphore_mem>>) src(%dma_wait3A_107 : memref<128xi32, #tpu.memory_space<hbm>>) dst(%arg10 : memref<128xi32, #tpu.memory_space<vmem>>)
          %add3A_108 = arith.constant 1 : i32
          %add3A_109 = arith.addi %add3A_71, %add3A_108 : i32
          %dma_start3A_110 = arith.constant 0 : i32
          %dma_start3A_111 = arith.constant 0 : i32
          %dma_start3A_112 = tpu.memref_slice %arg2[%dma_start3A_110, %dma_start3A_111] : memref<10240x128xf32, #tpu.memory_space<hbm>> -> memref<10240x128xf32, #tpu.memory_space<hbm>>
          tpu.enqueue_indirect_dma source(%dma_start3A_112 : memref<10240x128xf32, #tpu.memory_space<hbm>>) target(%arg12 : memref<128x128xf32, #tpu.memory_space<vmem>>) offsets(%arg8 : memref<128xi32, #tpu.memory_space<vmem>>) semaphore(%arg17 : memref<!tpu.dma_semaphore, #tpu.memory_space<semaphore_mem>>)
        } else {
        }
        %dma_wait3A_87 = arith.constant 0 : i32
        %dma_wait3A_88 = arith.constant 0 : i32
        %dma_wait3A_89 = tpu.memref_slice %arg2[%dma_wait3A_87, %dma_wait3A_88] : memref<10240x128xf32, #tpu.memory_space<hbm>> -> memref<10240x128xf32, #tpu.memory_space<hbm>>
        tpu.wait_indirect_dma semaphore(%arg16 : memref<!tpu.dma_semaphore, #tpu.memory_space<semaphore_mem>>) src(%dma_wait3A_89 : memref<10240x128xf32, #tpu.memory_space<hbm>>) dst(%arg11 : memref<128x128xf32, #tpu.memory_space<vmem>>)
        "tpu.region"() ({
          %run_scoped3A = tpu.sem_alloc : memref<!tpu.dma_semaphore, #tpu.memory_space<semaphore_mem>>
          %dma_start3A_96 = arith.constant 0 : i32
          %dma_start3A_97 = arith.constant 0 : i32
          %dma_start3A_98 = tpu.memref_slice %arg13[%dma_start3A_96, %dma_start3A_97] : memref<10240x128xf32, #tpu.memory_space<vmem_shared>> -> memref<10240x128xf32, #tpu.memory_space<vmem_shared>>
          tpu.enqueue_indirect_dma source(%arg11 : memref<128x128xf32, #tpu.memory_space<vmem>>) target(%dma_start3A_98 : memref<10240x128xf32, #tpu.memory_space<vmem_shared>>) offsets(%arg9 : memref<128xi32, #tpu.memory_space<vmem>>) semaphore(%run_scoped3A : memref<!tpu.dma_semaphore, #tpu.memory_space<semaphore_mem>>) {add = true}
          %dma_wait3A_99 = arith.constant 0 : i32
          %dma_wait3A_100 = arith.constant 0 : i32
          %dma_wait3A_101 = tpu.memref_slice %arg13[%dma_wait3A_99, %dma_wait3A_100] : memref<10240x128xf32, #tpu.memory_space<vmem_shared>> -> memref<10240x128xf32, #tpu.memory_space<vmem_shared>>
          tpu.wait_indirect_dma semaphore(%run_scoped3A : memref<!tpu.dma_semaphore, #tpu.memory_space<semaphore_mem>>) src(%arg11 : memref<128x128xf32, #tpu.memory_space<vmem>>) dst(%dma_wait3A_101 : memref<10240x128xf32, #tpu.memory_space<vmem_shared>>)
          tpu.yield
        }) : () -> ()
        %add3A_90 = arith.constant 2 : i32
        %add3A_91 = arith.addi %add3A_71, %add3A_90 : i32
        %lt3A_92 = arith.cmpi slt, %add3A_91, %select_n3A_2 : i32
        %convert_element_type3A_93 = arith.extui %lt3A_92 : i1 to i32
        %cond3A_94 = arith.constant 0 : i32
        %cond3A_95 = arith.cmpi ne, %convert_element_type3A_93, %cond3A_94 : i32
        scf.if %cond3A_95 {
          %add3A_96 = arith.constant 2 : i32
          %add3A_97 = arith.addi %add3A_71, %add3A_96 : i32
          %add3A_98 = arith.addi %select_n3A_9, %add3A_97 : i32
          %dma_start3A_99 = arith.constant 0 : i32
          %dma_start3A_100 = tpu.memref_slice %arg3[%add3A_98, %dma_start3A_99] : memref<2528x128xi32, #tpu.memory_space<hbm>> -> memref<1x128xi32, #tpu.memory_space<hbm>>
          %dma_start3A_101 = tpu.memref_squeeze %dma_start3A_100 : memref<1x128xi32, #tpu.memory_space<hbm>> -> memref<128xi32, #tpu.memory_space<hbm>>
          %dma_start3A_102 = arith.constant 0 : i32
          %dma_start3A_103 = tpu.memref_slice %arg3[%add3A_98, %dma_start3A_102] : memref<2528x128xi32, #tpu.memory_space<hbm>> -> memref<1x128xi32, #tpu.memory_space<hbm>>
          %dma_start3A_104 = tpu.memref_squeeze %dma_start3A_103 : memref<1x128xi32, #tpu.memory_space<hbm>> -> memref<128xi32, #tpu.memory_space<hbm>>
          tpu.enqueue_dma source(%dma_start3A_104 : memref<128xi32, #tpu.memory_space<hbm>>) target(%arg7 : memref<128xi32, #tpu.memory_space<vmem>>) target_semaphore(%arg14 : memref<!tpu.dma_semaphore, #tpu.memory_space<semaphore_mem>>)
          %add3A_105 = arith.addi %select_n3A_9, %add3A_97 : i32
          %dma_start3A_106 = arith.constant 0 : i32
          %dma_start3A_107 = tpu.memref_slice %arg4[%add3A_105, %dma_start3A_106] : memref<2528x128xi32, #tpu.memory_space<hbm>> -> memref<1x128xi32, #tpu.memory_space<hbm>>
          %dma_start3A_108 = tpu.memref_squeeze %dma_start3A_107 : memref<1x128xi32, #tpu.memory_space<hbm>> -> memref<128xi32, #tpu.memory_space<hbm>>
          %dma_start3A_109 = arith.constant 0 : i32
          %dma_start3A_110 = tpu.memref_slice %arg4[%add3A_105, %dma_start3A_109] : memref<2528x128xi32, #tpu.memory_space<hbm>> -> memref<1x128xi32, #tpu.memory_space<hbm>>
          %dma_start3A_111 = tpu.memref_squeeze %dma_start3A_110 : memref<1x128xi32, #tpu.memory_space<hbm>> -> memref<128xi32, #tpu.memory_space<hbm>>
          tpu.enqueue_dma source(%dma_start3A_111 : memref<128xi32, #tpu.memory_space<hbm>>) target(%arg9 : memref<128xi32, #tpu.memory_space<vmem>>) target_semaphore(%arg14 : memref<!tpu.dma_semaphore, #tpu.memory_space<semaphore_mem>>)
        } else {
        }
      } else {
      }
      %mul3A_73 = arith.constant 2 : i32
      %mul3A_74 = arith.muli %mul3A_73, %scan3A_67 : i32
      %add3A_75 = arith.constant 1 : i32
      %add3A_76 = arith.addi %mul3A_74, %add3A_75 : i32
      %lt3A_77 = arith.cmpi slt, %add3A_76, %select_n3A_2 : i32
      %convert_element_type3A_78 = arith.extui %lt3A_77 : i1 to i32
      %cond3A_79 = arith.constant 0 : i32
      %cond3A_80 = arith.cmpi ne, %convert_element_type3A_78, %cond3A_79 : i32
      scf.if %cond3A_80 {
        %add3A_81 = arith.constant 1 : i32
        %add3A_82 = arith.addi %add3A_76, %add3A_81 : i32
        %lt3A_83 = arith.cmpi slt, %add3A_82, %select_n3A_2 : i32
        %convert_element_type3A_84 = arith.extui %lt3A_83 : i1 to i32
        %cond3A_85 = arith.constant 0 : i32
        %cond3A_86 = arith.cmpi ne, %convert_element_type3A_84, %cond3A_85 : i32
        scf.if %cond3A_86 {
          %dma_wait3A_96 = arith.constant 0 : i32
          %dma_wait3A_97 = tpu.memref_slice %arg3[%select_n3A_9, %dma_wait3A_96] : memref<2528x128xi32, #tpu.memory_space<hbm>> -> memref<1x128xi32, #tpu.memory_space<hbm>>
          %dma_wait3A_98 = tpu.memref_squeeze %dma_wait3A_97 : memref<1x128xi32, #tpu.memory_space<hbm>> -> memref<128xi32, #tpu.memory_space<hbm>>
          %dma_wait3A_99 = arith.constant 0 : i32
          %dma_wait3A_100 = tpu.memref_slice %arg3[%select_n3A_9, %dma_wait3A_99] : memref<2528x128xi32, #tpu.memory_space<hbm>> -> memref<1x128xi32, #tpu.memory_space<hbm>>
          %dma_wait3A_101 = tpu.memref_squeeze %dma_wait3A_100 : memref<1x128xi32, #tpu.memory_space<hbm>> -> memref<128xi32, #tpu.memory_space<hbm>>
          tpu.wait_dma2 semaphore(%arg14 : memref<!tpu.dma_semaphore, #tpu.memory_space<semaphore_mem>>) src(%dma_wait3A_101 : memref<128xi32, #tpu.memory_space<hbm>>) dst(%arg7 : memref<128xi32, #tpu.memory_space<vmem>>)
          %dma_wait3A_102 = arith.constant 0 : i32
          %dma_wait3A_103 = tpu.memref_slice %arg4[%select_n3A_9, %dma_wait3A_102] : memref<2528x128xi32, #tpu.memory_space<hbm>> -> memref<1x128xi32, #tpu.memory_space<hbm>>
          %dma_wait3A_104 = tpu.memref_squeeze %dma_wait3A_103 : memref<1x128xi32, #tpu.memory_space<hbm>> -> memref<128xi32, #tpu.memory_space<hbm>>
          %dma_wait3A_105 = arith.constant 0 : i32
          %dma_wait3A_106 = tpu.memref_slice %arg4[%select_n3A_9, %dma_wait3A_105] : memref<2528x128xi32, #tpu.memory_space<hbm>> -> memref<1x128xi32, #tpu.memory_space<hbm>>
          %dma_wait3A_107 = tpu.memref_squeeze %dma_wait3A_106 : memref<1x128xi32, #tpu.memory_space<hbm>> -> memref<128xi32, #tpu.memory_space<hbm>>
          tpu.wait_dma2 semaphore(%arg14 : memref<!tpu.dma_semaphore, #tpu.memory_space<semaphore_mem>>) src(%dma_wait3A_107 : memref<128xi32, #tpu.memory_space<hbm>>) dst(%arg9 : memref<128xi32, #tpu.memory_space<vmem>>)
          %add3A_108 = arith.constant 1 : i32
          %add3A_109 = arith.addi %add3A_76, %add3A_108 : i32
          %dma_start3A_110 = arith.constant 0 : i32
          %dma_start3A_111 = arith.constant 0 : i32
          %dma_start3A_112 = tpu.memref_slice %arg2[%dma_start3A_110, %dma_start3A_111] : memref<10240x128xf32, #tpu.memory_space<hbm>> -> memref<10240x128xf32, #tpu.memory_space<hbm>>
          tpu.enqueue_indirect_dma source(%dma_start3A_112 : memref<10240x128xf32, #tpu.memory_space<hbm>>) target(%arg11 : memref<128x128xf32, #tpu.memory_space<vmem>>) offsets(%arg7 : memref<128xi32, #tpu.memory_space<vmem>>) semaphore(%arg16 : memref<!tpu.dma_semaphore, #tpu.memory_space<semaphore_mem>>)
        } else {
        }
        %dma_wait3A_87 = arith.constant 0 : i32
        %dma_wait3A_88 = arith.constant 0 : i32
        %dma_wait3A_89 = tpu.memref_slice %arg2[%dma_wait3A_87, %dma_wait3A_88] : memref<10240x128xf32, #tpu.memory_space<hbm>> -> memref<10240x128xf32, #tpu.memory_space<hbm>>
        tpu.wait_indirect_dma semaphore(%arg17 : memref<!tpu.dma_semaphore, #tpu.memory_space<semaphore_mem>>) src(%dma_wait3A_89 : memref<10240x128xf32, #tpu.memory_space<hbm>>) dst(%arg12 : memref<128x128xf32, #tpu.memory_space<vmem>>)
        "tpu.region"() ({
          %run_scoped3A = tpu.sem_alloc : memref<!tpu.dma_semaphore, #tpu.memory_space<semaphore_mem>>
          %dma_start3A_96 = arith.constant 0 : i32
          %dma_start3A_97 = arith.constant 0 : i32
          %dma_start3A_98 = tpu.memref_slice %arg13[%dma_start3A_96, %dma_start3A_97] : memref<10240x128xf32, #tpu.memory_space<vmem_shared>> -> memref<10240x128xf32, #tpu.memory_space<vmem_shared>>
          tpu.enqueue_indirect_dma source(%arg12 : memref<128x128xf32, #tpu.memory_space<vmem>>) target(%dma_start3A_98 : memref<10240x128xf32, #tpu.memory_space<vmem_shared>>) offsets(%arg10 : memref<128xi32, #tpu.memory_space<vmem>>) semaphore(%run_scoped3A : memref<!tpu.dma_semaphore, #tpu.memory_space<semaphore_mem>>) {add = true}
          %dma_wait3A_99 = arith.constant 0 : i32
          %dma_wait3A_100 = arith.constant 0 : i32
          %dma_wait3A_101 = tpu.memref_slice %arg13[%dma_wait3A_99, %dma_wait3A_100] : memref<10240x128xf32, #tpu.memory_space<vmem_shared>> -> memref<10240x128xf32, #tpu.memory_space<vmem_shared>>
          tpu.wait_indirect_dma semaphore(%run_scoped3A : memref<!tpu.dma_semaphore, #tpu.memory_space<semaphore_mem>>) src(%arg12 : memref<128x128xf32, #tpu.memory_space<vmem>>) dst(%dma_wait3A_101 : memref<10240x128xf32, #tpu.memory_space<vmem_shared>>)
          tpu.yield
        }) : () -> ()
        %add3A_90 = arith.constant 2 : i32
        %add3A_91 = arith.addi %add3A_76, %add3A_90 : i32
        %lt3A_92 = arith.cmpi slt, %add3A_91, %select_n3A_2 : i32
        %convert_element_type3A_93 = arith.extui %lt3A_92 : i1 to i32
        %cond3A_94 = arith.constant 0 : i32
        %cond3A_95 = arith.cmpi ne, %convert_element_type3A_93, %cond3A_94 : i32
        scf.if %cond3A_95 {
          %add3A_96 = arith.constant 2 : i32
          %add3A_97 = arith.addi %add3A_76, %add3A_96 : i32
          %add3A_98 = arith.addi %select_n3A_9, %add3A_97 : i32
          %dma_start3A_99 = arith.constant 0 : i32
          %dma_start3A_100 = tpu.memref_slice %arg3[%add3A_98, %dma_start3A_99] : memref<2528x128xi32, #tpu.memory_space<hbm>> -> memref<1x128xi32, #tpu.memory_space<hbm>>
          %dma_start3A_101 = tpu.memref_squeeze %dma_start3A_100 : memref<1x128xi32, #tpu.memory_space<hbm>> -> memref<128xi32, #tpu.memory_space<hbm>>
          %dma_start3A_102 = arith.constant 0 : i32
          %dma_start3A_103 = tpu.memref_slice %arg3[%add3A_98, %dma_start3A_102] : memref<2528x128xi32, #tpu.memory_space<hbm>> -> memref<1x128xi32, #tpu.memory_space<hbm>>
          %dma_start3A_104 = tpu.memref_squeeze %dma_start3A_103 : memref<1x128xi32, #tpu.memory_space<hbm>> -> memref<128xi32, #tpu.memory_space<hbm>>
          tpu.enqueue_dma source(%dma_start3A_104 : memref<128xi32, #tpu.memory_space<hbm>>) target(%arg8 : memref<128xi32, #tpu.memory_space<vmem>>) target_semaphore(%arg15 : memref<!tpu.dma_semaphore, #tpu.memory_space<semaphore_mem>>)
          %add3A_105 = arith.addi %select_n3A_9, %add3A_97 : i32
          %dma_start3A_106 = arith.constant 0 : i32
          %dma_start3A_107 = tpu.memref_slice %arg4[%add3A_105, %dma_start3A_106] : memref<2528x128xi32, #tpu.memory_space<hbm>> -> memref<1x128xi32, #tpu.memory_space<hbm>>
          %dma_start3A_108 = tpu.memref_squeeze %dma_start3A_107 : memref<1x128xi32, #tpu.memory_space<hbm>> -> memref<128xi32, #tpu.memory_space<hbm>>
          %dma_start3A_109 = arith.constant 0 : i32
          %dma_start3A_110 = tpu.memref_slice %arg4[%add3A_105, %dma_start3A_109] : memref<2528x128xi32, #tpu.memory_space<hbm>> -> memref<1x128xi32, #tpu.memory_space<hbm>>
          %dma_start3A_111 = tpu.memref_squeeze %dma_start3A_110 : memref<1x128xi32, #tpu.memory_space<hbm>> -> memref<128xi32, #tpu.memory_space<hbm>>
          tpu.enqueue_dma source(%dma_start3A_111 : memref<128xi32, #tpu.memory_space<hbm>>) target(%arg10 : memref<128xi32, #tpu.memory_space<vmem>>) target_semaphore(%arg15 : memref<!tpu.dma_semaphore, #tpu.memory_space<semaphore_mem>>)
        } else {
        }
      } else {
      }
    }
    %scan3A_61 = arith.constant 67 : i32
    %barrier3A_62 = arith.constant 0 : index
    tpu.barrier barrier_id(%barrier3A_62)
    %mul3A_63 = arith.constant 640 : i32
    %mul3A_64 = arith.muli %arg1, %mul3A_63 : i32
    %mul3A_65 = arith.constant 640 : i32
    %mul3A_66 = arith.muli %arg1, %mul3A_65 : i32
    "tpu.region"() ({
      %run_scoped3A = tpu.sem_alloc : memref<!tpu.dma_semaphore, #tpu.memory_space<semaphore_mem>>
      %dma_start3A_67 = arith.constant 0 : i32
      %dma_start3A_68 = tpu.memref_slice %arg6[%arg0, %mul3A_66, %dma_start3A_67] : memref<2x10240x128xf32, #tpu.memory_space<hbm>> -> memref<1x640x128xf32, #tpu.memory_space<hbm>>
      %dma_start3A_69 = tpu.memref_squeeze %dma_start3A_68 : memref<1x640x128xf32, #tpu.memory_space<hbm>> -> memref<640x128xf32, #tpu.memory_space<hbm>>
      %dma_start3A_70 = arith.constant 0 : i32
      %dma_start3A_71 = tpu.memref_slice %arg13[%mul3A_64, %dma_start3A_70] : memref<10240x128xf32, #tpu.memory_space<vmem_shared>> -> memref<640x128xf32, #tpu.memory_space<vmem_shared>>
      tpu.enqueue_dma source(%dma_start3A_71 : memref<640x128xf32, #tpu.memory_space<vmem_shared>>) target(%dma_start3A_69 : memref<640x128xf32, #tpu.memory_space<hbm>>) target_semaphore(%run_scoped3A : memref<!tpu.dma_semaphore, #tpu.memory_space<semaphore_mem>>)
      %dma_wait3A_72 = arith.constant 0 : i32
      %dma_wait3A_73 = tpu.memref_slice %arg6[%arg0, %mul3A_66, %dma_wait3A_72] : memref<2x10240x128xf32, #tpu.memory_space<hbm>> -> memref<1x640x128xf32, #tpu.memory_space<hbm>>
      %dma_wait3A_74 = tpu.memref_squeeze %dma_wait3A_73 : memref<1x640x128xf32, #tpu.memory_space<hbm>> -> memref<640x128xf32, #tpu.memory_space<hbm>>
      %dma_wait3A_75 = arith.constant 0 : i32
      %dma_wait3A_76 = tpu.memref_slice %arg13[%mul3A_64, %dma_wait3A_75] : memref<10240x128xf32, #tpu.memory_space<vmem_shared>> -> memref<640x128xf32, #tpu.memory_space<vmem_shared>>
      tpu.wait_dma2 semaphore(%run_scoped3A : memref<!tpu.dma_semaphore, #tpu.memory_space<semaphore_mem>>) src(%dma_wait3A_76 : memref<640x128xf32, #tpu.memory_space<vmem_shared>>) dst(%dma_wait3A_74 : memref<640x128xf32, #tpu.memory_space<hbm>>)
      tpu.yield
    }) : () -> ()
    return
  }
}

#map = affine_map<(d0, d1) -> (0, 0)>
#map1 = affine_map<(d0, d1) -> (0, 0, 0)>
module attributes {stable_mosaic.version = 14 : i64} {
  func.func @_agg_kernel(%arg0: i32, %arg1: i32, %arg2: memref<10240x128xf32, #tpu.memory_space<hbm>>, %arg3: memref<2528x128xi32, #tpu.memory_space<hbm>>, %arg4: memref<2528x128xi32, #tpu.memory_space<hbm>>, %arg5: memref<640x128xf32, #tpu.memory_space<hbm>>, %arg6: memref<2x10240x128xf32, #tpu.memory_space<hbm>>, %arg7: memref<128xi32, #tpu.memory_space<vmem>>, %arg8: memref<128xi32, #tpu.memory_space<vmem>>, %arg9: memref<128xi32, #tpu.memory_space<vmem>>, %arg10: memref<128xi32, #tpu.memory_space<vmem>>, %arg11: memref<128x128xf32, #tpu.memory_space<vmem>>, %arg12: memref<128x128xf32, #tpu.memory_space<vmem>>, %arg13: memref<10240x128xf32, #tpu.memory_space<vmem_shared>>, %arg14: memref<!tpu.dma_semaphore, #tpu.memory_space<semaphore_mem>>, %arg15: memref<!tpu.dma_semaphore, #tpu.memory_space<semaphore_mem>>, %arg16: memref<!tpu.dma_semaphore, #tpu.memory_space<semaphore_mem>>, %arg17: memref<!tpu.dma_semaphore, #tpu.memory_space<semaphore_mem>>) attributes {dimension_semantics = [#tpu.dimension_semantics<core_parallel>, #tpu.dimension_semantics<subcore_parallel>], iteration_bounds = array<i64: 2, 16>, scalar_prefetch = 0 : i64, scratch_operands = 11 : i64, tpu.core_type = #tpu.core_type<sc_vector_subcore>, window_params = [{transform_indices = #map}, {transform_indices = #map}, {transform_indices = #map}, {transform_indices = #map}, {transform_indices = #map1}]} {
    %eq3A = arith.constant 0 : i32
    %eq3A_0 = arith.cmpi eq, %arg0, %eq3A : i32
    %select_n3A = arith.constant 24 : i32
    %select_n3A_1 = arith.constant 134 : i32
    %select_n3A_2 = arith.select %eq3A_0, %select_n3A_1, %select_n3A : i32
    %eq3A_3 = arith.constant 0 : i32
    %eq3A_4 = arith.cmpi eq, %arg0, %eq3A_3 : i32
    %mul3A = arith.constant 134 : i32
    %mul3A_5 = arith.muli %arg1, %mul3A : i32
    %mul3A_6 = arith.constant 24 : i32
    %mul3A_7 = arith.muli %arg1, %mul3A_6 : i32
    %add3A = arith.constant 2144 : i32
    %add3A_8 = arith.addi %add3A, %mul3A_7 : i32
    %select_n3A_9 = arith.select %eq3A_4, %mul3A_5, %add3A_8 : i32
    %mul3A_10 = arith.constant 640 : i32
    %mul3A_11 = arith.muli %arg1, %mul3A_10 : i32
    "tpu.region"() ({
      %run_scoped3A = tpu.sem_alloc : memref<!tpu.dma_semaphore, #tpu.memory_space<semaphore_mem>>
      %dma_start3A_67 = arith.constant 0 : i32
      %dma_start3A_68 = tpu.memref_slice %arg13[%mul3A_11, %dma_start3A_67] : memref<10240x128xf32, #tpu.memory_space<vmem_shared>> -> memref<640x128xf32, #tpu.memory_space<vmem_shared>>
      tpu.enqueue_dma source(%arg5 : memref<640x128xf32, #tpu.memory_space<hbm>>) target(%dma_start3A_68 : memref<640x128xf32, #tpu.memory_space<vmem_shared>>) target_semaphore(%run_scoped3A : memref<!tpu.dma_semaphore, #tpu.memory_space<semaphore_mem>>)
      %dma_wait3A_69 = arith.constant 0 : i32
      %dma_wait3A_70 = tpu.memref_slice %arg13[%mul3A_11, %dma_wait3A_69] : memref<10240x128xf32, #tpu.memory_space<vmem_shared>> -> memref<640x128xf32, #tpu.memory_space<vmem_shared>>
      tpu.wait_dma2 semaphore(%run_scoped3A : memref<!tpu.dma_semaphore, #tpu.memory_space<semaphore_mem>>) src(%arg5 : memref<640x128xf32, #tpu.memory_space<hbm>>) dst(%dma_wait3A_70 : memref<640x128xf32, #tpu.memory_space<vmem_shared>>)
      tpu.yield
    }) : () -> ()
    %add3A_12 = arith.constant 0 : i32
    %add3A_13 = arith.addi %select_n3A_9, %add3A_12 : i32
    %dma_start3A = arith.constant 0 : i32
    %dma_start3A_14 = tpu.memref_slice %arg3[%add3A_13, %dma_start3A] : memref<2528x128xi32, #tpu.memory_space<hbm>> -> memref<1x128xi32, #tpu.memory_space<hbm>>
    %dma_start3A_15 = tpu.memref_squeeze %dma_start3A_14 : memref<1x128xi32, #tpu.memory_space<hbm>> -> memref<128xi32, #tpu.memory_space<hbm>>
    %dma_start3A_16 = arith.constant 0 : i32
    %dma_start3A_17 = tpu.memref_slice %arg3[%add3A_13, %dma_start3A_16] : memref<2528x128xi32, #tpu.memory_space<hbm>> -> memref<1x128xi32, #tpu.memory_space<hbm>>
    %dma_start3A_18 = tpu.memref_squeeze %dma_start3A_17 : memref<1x128xi32, #tpu.memory_space<hbm>> -> memref<128xi32, #tpu.memory_space<hbm>>
    tpu.enqueue_dma source(%dma_start3A_18 : memref<128xi32, #tpu.memory_space<hbm>>) target(%arg7 : memref<128xi32, #tpu.memory_space<vmem>>) target_semaphore(%arg14 : memref<!tpu.dma_semaphore, #tpu.memory_space<semaphore_mem>>)
    %add3A_19 = arith.constant 0 : i32
    %add3A_20 = arith.addi %select_n3A_9, %add3A_19 : i32
    %dma_start3A_21 = arith.constant 0 : i32
    %dma_start3A_22 = tpu.memref_slice %arg4[%add3A_20, %dma_start3A_21] : memref<2528x128xi32, #tpu.memory_space<hbm>> -> memref<1x128xi32, #tpu.memory_space<hbm>>
    %dma_start3A_23 = tpu.memref_squeeze %dma_start3A_22 : memref<1x128xi32, #tpu.memory_space<hbm>> -> memref<128xi32, #tpu.memory_space<hbm>>
    %dma_start3A_24 = arith.constant 0 : i32
    %dma_start3A_25 = tpu.memref_slice %arg4[%add3A_20, %dma_start3A_24] : memref<2528x128xi32, #tpu.memory_space<hbm>> -> memref<1x128xi32, #tpu.memory_space<hbm>>
    %dma_start3A_26 = tpu.memref_squeeze %dma_start3A_25 : memref<1x128xi32, #tpu.memory_space<hbm>> -> memref<128xi32, #tpu.memory_space<hbm>>
    tpu.enqueue_dma source(%dma_start3A_26 : memref<128xi32, #tpu.memory_space<hbm>>) target(%arg9 : memref<128xi32, #tpu.memory_space<vmem>>) target_semaphore(%arg14 : memref<!tpu.dma_semaphore, #tpu.memory_space<semaphore_mem>>)
    %add3A_27 = arith.constant 1 : i32
    %add3A_28 = arith.addi %select_n3A_9, %add3A_27 : i32
    %dma_start3A_29 = arith.constant 0 : i32
    %dma_start3A_30 = tpu.memref_slice %arg3[%add3A_28, %dma_start3A_29] : memref<2528x128xi32, #tpu.memory_space<hbm>> -> memref<1x128xi32, #tpu.memory_space<hbm>>
    %dma_start3A_31 = tpu.memref_squeeze %dma_start3A_30 : memref<1x128xi32, #tpu.memory_space<hbm>> -> memref<128xi32, #tpu.memory_space<hbm>>
    %dma_start3A_32 = arith.constant 0 : i32
    %dma_start3A_33 = tpu.memref_slice %arg3[%add3A_28, %dma_start3A_32] : memref<2528x128xi32, #tpu.memory_space<hbm>> -> memref<1x128xi32, #tpu.memory_space<hbm>>
    %dma_start3A_34 = tpu.memref_squeeze %dma_start3A_33 : memref<1x128xi32, #tpu.memory_space<hbm>> -> memref<128xi32, #tpu.memory_space<hbm>>
    tpu.enqueue_dma source(%dma_start3A_34 : memref<128xi32, #tpu.memory_space<hbm>>) target(%arg8 : memref<128xi32, #tpu.memory_space<vmem>>) target_semaphore(%arg15 : memref<!tpu.dma_semaphore, #tpu.memory_space<semaphore_mem>>)
    %add3A_35 = arith.constant 1 : i32
    %add3A_36 = arith.addi %select_n3A_9, %add3A_35 : i32
    %dma_start3A_37 = arith.constant 0 : i32
    %dma_start3A_38 = tpu.memref_slice %arg4[%add3A_36, %dma_start3A_37] : memref<2528x128xi32, #tpu.memory_space<hbm>> -> memref<1x128xi32, #tpu.memory_space<hbm>>
    %dma_start3A_39 = tpu.memref_squeeze %dma_start3A_38 : memref<1x128xi32, #tpu.memory_space<hbm>> -> memref<128xi32, #tpu.memory_space<hbm>>
    %dma_start3A_40 = arith.constant 0 : i32
    %dma_start3A_41 = tpu.memref_slice %arg4[%add3A_36, %dma_start3A_40] : memref<2528x128xi32, #tpu.memory_space<hbm>> -> memref<1x128xi32, #tpu.memory_space<hbm>>
    %dma_start3A_42 = tpu.memref_squeeze %dma_start3A_41 : memref<1x128xi32, #tpu.memory_space<hbm>> -> memref<128xi32, #tpu.memory_space<hbm>>
    tpu.enqueue_dma source(%dma_start3A_42 : memref<128xi32, #tpu.memory_space<hbm>>) target(%arg10 : memref<128xi32, #tpu.memory_space<vmem>>) target_semaphore(%arg15 : memref<!tpu.dma_semaphore, #tpu.memory_space<semaphore_mem>>)
    %barrier3A = arith.constant 0 : index
    tpu.barrier barrier_id(%barrier3A)
    %dma_wait3A = arith.constant 0 : i32
    %dma_wait3A_43 = tpu.memref_slice %arg3[%select_n3A_9, %dma_wait3A] : memref<2528x128xi32, #tpu.memory_space<hbm>> -> memref<1x128xi32, #tpu.memory_space<hbm>>
    %dma_wait3A_44 = tpu.memref_squeeze %dma_wait3A_43 : memref<1x128xi32, #tpu.memory_space<hbm>> -> memref<128xi32, #tpu.memory_space<hbm>>
    %dma_wait3A_45 = arith.constant 0 : i32
    %dma_wait3A_46 = tpu.memref_slice %arg3[%select_n3A_9, %dma_wait3A_45] : memref<2528x128xi32, #tpu.memory_space<hbm>> -> memref<1x128xi32, #tpu.memory_space<hbm>>
    %dma_wait3A_47 = tpu.memref_squeeze %dma_wait3A_46 : memref<1x128xi32, #tpu.memory_space<hbm>> -> memref<128xi32, #tpu.memory_space<hbm>>
    tpu.wait_dma2 semaphore(%arg14 : memref<!tpu.dma_semaphore, #tpu.memory_space<semaphore_mem>>) src(%dma_wait3A_47 : memref<128xi32, #tpu.memory_space<hbm>>) dst(%arg7 : memref<128xi32, #tpu.memory_space<vmem>>)
    %dma_wait3A_48 = arith.constant 0 : i32
    %dma_wait3A_49 = tpu.memref_slice %arg4[%select_n3A_9, %dma_wait3A_48] : memref<2528x128xi32, #tpu.memory_space<hbm>> -> memref<1x128xi32, #tpu.memory_space<hbm>>
    %dma_wait3A_50 = tpu.memref_squeeze %dma_wait3A_49 : memref<1x128xi32, #tpu.memory_space<hbm>> -> memref<128xi32, #tpu.memory_space<hbm>>
    %dma_wait3A_51 = arith.constant 0 : i32
    %dma_wait3A_52 = tpu.memref_slice %arg4[%select_n3A_9, %dma_wait3A_51] : memref<2528x128xi32, #tpu.memory_space<hbm>> -> memref<1x128xi32, #tpu.memory_space<hbm>>
    %dma_wait3A_53 = tpu.memref_squeeze %dma_wait3A_52 : memref<1x128xi32, #tpu.memory_space<hbm>> -> memref<128xi32, #tpu.memory_space<hbm>>
    tpu.wait_dma2 semaphore(%arg14 : memref<!tpu.dma_semaphore, #tpu.memory_space<semaphore_mem>>) src(%dma_wait3A_53 : memref<128xi32, #tpu.memory_space<hbm>>) dst(%arg9 : memref<128xi32, #tpu.memory_space<vmem>>)
    %dma_start3A_54 = arith.constant 0 : i32
    %dma_start3A_55 = arith.constant 0 : i32
    %dma_start3A_56 = tpu.memref_slice %arg2[%dma_start3A_54, %dma_start3A_55] : memref<10240x128xf32, #tpu.memory_space<hbm>> -> memref<10240x128xf32, #tpu.memory_space<hbm>>
    tpu.enqueue_indirect_dma source(%dma_start3A_56 : memref<10240x128xf32, #tpu.memory_space<hbm>>) target(%arg11 : memref<128x128xf32, #tpu.memory_space<vmem>>) offsets(%arg7 : memref<128xi32, #tpu.memory_space<vmem>>) semaphore(%arg16 : memref<!tpu.dma_semaphore, #tpu.memory_space<semaphore_mem>>)
    %scan3A = arith.constant 0 : i32
    %scan3A_57 = arith.constant 0 : i32
    %scan3A_58 = arith.constant 67 : i32
    %scan3A_59 = arith.addi %scan3A_57, %scan3A_58 : i32
    %scan3A_60 = arith.constant 1 : i32
    scf.for %scan3A_67 = %scan3A_57 to %scan3A_59 step %scan3A_60  : i32 {
      %mul3A_68 = arith.constant 2 : i32
      %mul3A_69 = arith.muli %mul3A_68, %scan3A_67 : i32
      %add3A_70 = arith.constant 0 : i32
      %add3A_71 = arith.addi %mul3A_69, %add3A_70 : i32
      %lt3A = arith.cmpi slt, %add3A_71, %select_n3A_2 : i32
      %convert_element_type3A = arith.extui %lt3A : i1 to i32
      %cond3A = arith.constant 0 : i32
      %cond3A_72 = arith.cmpi ne, %convert_element_type3A, %cond3A : i32
      scf.if %cond3A_72 {
        %add3A_81 = arith.constant 1 : i32
        %add3A_82 = arith.addi %add3A_71, %add3A_81 : i32
        %lt3A_83 = arith.cmpi slt, %add3A_82, %select_n3A_2 : i32
        %convert_element_type3A_84 = arith.extui %lt3A_83 : i1 to i32
        %cond3A_85 = arith.constant 0 : i32
        %cond3A_86 = arith.cmpi ne, %convert_element_type3A_84, %cond3A_85 : i32
        scf.if %cond3A_86 {
          %dma_wait3A_96 = arith.constant 0 : i32
          %dma_wait3A_97 = tpu.memref_slice %arg3[%select_n3A_9, %dma_wait3A_96] : memref<2528x128xi32, #tpu.memory_space<hbm>> -> memref<1x128xi32, #tpu.memory_space<hbm>>
          %dma_wait3A_98 = tpu.memref_squeeze %dma_wait3A_97 : memref<1x128xi32, #tpu.memory_space<hbm>> -> memref<128xi32, #tpu.memory_space<hbm>>
          %dma_wait3A_99 = arith.constant 0 : i32
          %dma_wait3A_100 = tpu.memref_slice %arg3[%select_n3A_9, %dma_wait3A_99] : memref<2528x128xi32, #tpu.memory_space<hbm>> -> memref<1x128xi32, #tpu.memory_space<hbm>>
          %dma_wait3A_101 = tpu.memref_squeeze %dma_wait3A_100 : memref<1x128xi32, #tpu.memory_space<hbm>> -> memref<128xi32, #tpu.memory_space<hbm>>
          tpu.wait_dma2 semaphore(%arg15 : memref<!tpu.dma_semaphore, #tpu.memory_space<semaphore_mem>>) src(%dma_wait3A_101 : memref<128xi32, #tpu.memory_space<hbm>>) dst(%arg8 : memref<128xi32, #tpu.memory_space<vmem>>)
          %dma_wait3A_102 = arith.constant 0 : i32
          %dma_wait3A_103 = tpu.memref_slice %arg4[%select_n3A_9, %dma_wait3A_102] : memref<2528x128xi32, #tpu.memory_space<hbm>> -> memref<1x128xi32, #tpu.memory_space<hbm>>
          %dma_wait3A_104 = tpu.memref_squeeze %dma_wait3A_103 : memref<1x128xi32, #tpu.memory_space<hbm>> -> memref<128xi32, #tpu.memory_space<hbm>>
          %dma_wait3A_105 = arith.constant 0 : i32
          %dma_wait3A_106 = tpu.memref_slice %arg4[%select_n3A_9, %dma_wait3A_105] : memref<2528x128xi32, #tpu.memory_space<hbm>> -> memref<1x128xi32, #tpu.memory_space<hbm>>
          %dma_wait3A_107 = tpu.memref_squeeze %dma_wait3A_106 : memref<1x128xi32, #tpu.memory_space<hbm>> -> memref<128xi32, #tpu.memory_space<hbm>>
          tpu.wait_dma2 semaphore(%arg15 : memref<!tpu.dma_semaphore, #tpu.memory_space<semaphore_mem>>) src(%dma_wait3A_107 : memref<128xi32, #tpu.memory_space<hbm>>) dst(%arg10 : memref<128xi32, #tpu.memory_space<vmem>>)
          %add3A_108 = arith.constant 1 : i32
          %add3A_109 = arith.addi %add3A_71, %add3A_108 : i32
          %dma_start3A_110 = arith.constant 0 : i32
          %dma_start3A_111 = arith.constant 0 : i32
          %dma_start3A_112 = tpu.memref_slice %arg2[%dma_start3A_110, %dma_start3A_111] : memref<10240x128xf32, #tpu.memory_space<hbm>> -> memref<10240x128xf32, #tpu.memory_space<hbm>>
          tpu.enqueue_indirect_dma source(%dma_start3A_112 : memref<10240x128xf32, #tpu.memory_space<hbm>>) target(%arg12 : memref<128x128xf32, #tpu.memory_space<vmem>>) offsets(%arg8 : memref<128xi32, #tpu.memory_space<vmem>>) semaphore(%arg17 : memref<!tpu.dma_semaphore, #tpu.memory_space<semaphore_mem>>)
        } else {
        }
        %dma_wait3A_87 = arith.constant 0 : i32
        %dma_wait3A_88 = arith.constant 0 : i32
        %dma_wait3A_89 = tpu.memref_slice %arg2[%dma_wait3A_87, %dma_wait3A_88] : memref<10240x128xf32, #tpu.memory_space<hbm>> -> memref<10240x128xf32, #tpu.memory_space<hbm>>
        tpu.wait_indirect_dma semaphore(%arg16 : memref<!tpu.dma_semaphore, #tpu.memory_space<semaphore_mem>>) src(%dma_wait3A_89 : memref<10240x128xf32, #tpu.memory_space<hbm>>) dst(%arg11 : memref<128x128xf32, #tpu.memory_space<vmem>>)
        "tpu.region"() ({
          %run_scoped3A = tpu.sem_alloc : memref<!tpu.dma_semaphore, #tpu.memory_space<semaphore_mem>>
          %dma_start3A_96 = arith.constant 0 : i32
          %dma_start3A_97 = arith.constant 0 : i32
          %dma_start3A_98 = tpu.memref_slice %arg13[%dma_start3A_96, %dma_start3A_97] : memref<10240x128xf32, #tpu.memory_space<vmem_shared>> -> memref<10240x128xf32, #tpu.memory_space<vmem_shared>>
          tpu.enqueue_indirect_dma source(%arg11 : memref<128x128xf32, #tpu.memory_space<vmem>>) target(%dma_start3A_98 : memref<10240x128xf32, #tpu.memory_space<vmem_shared>>) offsets(%arg9 : memref<128xi32, #tpu.memory_space<vmem>>) semaphore(%run_scoped3A : memref<!tpu.dma_semaphore, #tpu.memory_space<semaphore_mem>>) {add = true}
          %dma_wait3A_99 = arith.constant 0 : i32
          %dma_wait3A_100 = arith.constant 0 : i32
          %dma_wait3A_101 = tpu.memref_slice %arg13[%dma_wait3A_99, %dma_wait3A_100] : memref<10240x128xf32, #tpu.memory_space<vmem_shared>> -> memref<10240x128xf32, #tpu.memory_space<vmem_shared>>
          tpu.wait_indirect_dma semaphore(%run_scoped3A : memref<!tpu.dma_semaphore, #tpu.memory_space<semaphore_mem>>) src(%arg11 : memref<128x128xf32, #tpu.memory_space<vmem>>) dst(%dma_wait3A_101 : memref<10240x128xf32, #tpu.memory_space<vmem_shared>>)
          tpu.yield
        }) : () -> ()
        %add3A_90 = arith.constant 2 : i32
        %add3A_91 = arith.addi %add3A_71, %add3A_90 : i32
        %lt3A_92 = arith.cmpi slt, %add3A_91, %select_n3A_2 : i32
        %convert_element_type3A_93 = arith.extui %lt3A_92 : i1 to i32
        %cond3A_94 = arith.constant 0 : i32
        %cond3A_95 = arith.cmpi ne, %convert_element_type3A_93, %cond3A_94 : i32
        scf.if %cond3A_95 {
          %add3A_96 = arith.constant 2 : i32
          %add3A_97 = arith.addi %add3A_71, %add3A_96 : i32
          %add3A_98 = arith.addi %select_n3A_9, %add3A_97 : i32
          %dma_start3A_99 = arith.constant 0 : i32
          %dma_start3A_100 = tpu.memref_slice %arg3[%add3A_98, %dma_start3A_99] : memref<2528x128xi32, #tpu.memory_space<hbm>> -> memref<1x128xi32, #tpu.memory_space<hbm>>
          %dma_start3A_101 = tpu.memref_squeeze %dma_start3A_100 : memref<1x128xi32, #tpu.memory_space<hbm>> -> memref<128xi32, #tpu.memory_space<hbm>>
          %dma_start3A_102 = arith.constant 0 : i32
          %dma_start3A_103 = tpu.memref_slice %arg3[%add3A_98, %dma_start3A_102] : memref<2528x128xi32, #tpu.memory_space<hbm>> -> memref<1x128xi32, #tpu.memory_space<hbm>>
          %dma_start3A_104 = tpu.memref_squeeze %dma_start3A_103 : memref<1x128xi32, #tpu.memory_space<hbm>> -> memref<128xi32, #tpu.memory_space<hbm>>
          tpu.enqueue_dma source(%dma_start3A_104 : memref<128xi32, #tpu.memory_space<hbm>>) target(%arg7 : memref<128xi32, #tpu.memory_space<vmem>>) target_semaphore(%arg14 : memref<!tpu.dma_semaphore, #tpu.memory_space<semaphore_mem>>)
          %add3A_105 = arith.addi %select_n3A_9, %add3A_97 : i32
          %dma_start3A_106 = arith.constant 0 : i32
          %dma_start3A_107 = tpu.memref_slice %arg4[%add3A_105, %dma_start3A_106] : memref<2528x128xi32, #tpu.memory_space<hbm>> -> memref<1x128xi32, #tpu.memory_space<hbm>>
          %dma_start3A_108 = tpu.memref_squeeze %dma_start3A_107 : memref<1x128xi32, #tpu.memory_space<hbm>> -> memref<128xi32, #tpu.memory_space<hbm>>
          %dma_start3A_109 = arith.constant 0 : i32
          %dma_start3A_110 = tpu.memref_slice %arg4[%add3A_105, %dma_start3A_109] : memref<2528x128xi32, #tpu.memory_space<hbm>> -> memref<1x128xi32, #tpu.memory_space<hbm>>
          %dma_start3A_111 = tpu.memref_squeeze %dma_start3A_110 : memref<1x128xi32, #tpu.memory_space<hbm>> -> memref<128xi32, #tpu.memory_space<hbm>>
          tpu.enqueue_dma source(%dma_start3A_111 : memref<128xi32, #tpu.memory_space<hbm>>) target(%arg9 : memref<128xi32, #tpu.memory_space<vmem>>) target_semaphore(%arg14 : memref<!tpu.dma_semaphore, #tpu.memory_space<semaphore_mem>>)
        } else {
        }
      } else {
      }
      %mul3A_73 = arith.constant 2 : i32
      %mul3A_74 = arith.muli %mul3A_73, %scan3A_67 : i32
      %add3A_75 = arith.constant 1 : i32
      %add3A_76 = arith.addi %mul3A_74, %add3A_75 : i32
      %lt3A_77 = arith.cmpi slt, %add3A_76, %select_n3A_2 : i32
      %convert_element_type3A_78 = arith.extui %lt3A_77 : i1 to i32
      %cond3A_79 = arith.constant 0 : i32
      %cond3A_80 = arith.cmpi ne, %convert_element_type3A_78, %cond3A_79 : i32
      scf.if %cond3A_80 {
        %add3A_81 = arith.constant 1 : i32
        %add3A_82 = arith.addi %add3A_76, %add3A_81 : i32
        %lt3A_83 = arith.cmpi slt, %add3A_82, %select_n3A_2 : i32
        %convert_element_type3A_84 = arith.extui %lt3A_83 : i1 to i32
        %cond3A_85 = arith.constant 0 : i32
        %cond3A_86 = arith.cmpi ne, %convert_element_type3A_84, %cond3A_85 : i32
        scf.if %cond3A_86 {
          %dma_wait3A_96 = arith.constant 0 : i32
          %dma_wait3A_97 = tpu.memref_slice %arg3[%select_n3A_9, %dma_wait3A_96] : memref<2528x128xi32, #tpu.memory_space<hbm>> -> memref<1x128xi32, #tpu.memory_space<hbm>>
          %dma_wait3A_98 = tpu.memref_squeeze %dma_wait3A_97 : memref<1x128xi32, #tpu.memory_space<hbm>> -> memref<128xi32, #tpu.memory_space<hbm>>
          %dma_wait3A_99 = arith.constant 0 : i32
          %dma_wait3A_100 = tpu.memref_slice %arg3[%select_n3A_9, %dma_wait3A_99] : memref<2528x128xi32, #tpu.memory_space<hbm>> -> memref<1x128xi32, #tpu.memory_space<hbm>>
          %dma_wait3A_101 = tpu.memref_squeeze %dma_wait3A_100 : memref<1x128xi32, #tpu.memory_space<hbm>> -> memref<128xi32, #tpu.memory_space<hbm>>
          tpu.wait_dma2 semaphore(%arg14 : memref<!tpu.dma_semaphore, #tpu.memory_space<semaphore_mem>>) src(%dma_wait3A_101 : memref<128xi32, #tpu.memory_space<hbm>>) dst(%arg7 : memref<128xi32, #tpu.memory_space<vmem>>)
          %dma_wait3A_102 = arith.constant 0 : i32
          %dma_wait3A_103 = tpu.memref_slice %arg4[%select_n3A_9, %dma_wait3A_102] : memref<2528x128xi32, #tpu.memory_space<hbm>> -> memref<1x128xi32, #tpu.memory_space<hbm>>
          %dma_wait3A_104 = tpu.memref_squeeze %dma_wait3A_103 : memref<1x128xi32, #tpu.memory_space<hbm>> -> memref<128xi32, #tpu.memory_space<hbm>>
          %dma_wait3A_105 = arith.constant 0 : i32
          %dma_wait3A_106 = tpu.memref_slice %arg4[%select_n3A_9, %dma_wait3A_105] : memref<2528x128xi32, #tpu.memory_space<hbm>> -> memref<1x128xi32, #tpu.memory_space<hbm>>
          %dma_wait3A_107 = tpu.memref_squeeze %dma_wait3A_106 : memref<1x128xi32, #tpu.memory_space<hbm>> -> memref<128xi32, #tpu.memory_space<hbm>>
          tpu.wait_dma2 semaphore(%arg14 : memref<!tpu.dma_semaphore, #tpu.memory_space<semaphore_mem>>) src(%dma_wait3A_107 : memref<128xi32, #tpu.memory_space<hbm>>) dst(%arg9 : memref<128xi32, #tpu.memory_space<vmem>>)
          %add3A_108 = arith.constant 1 : i32
          %add3A_109 = arith.addi %add3A_76, %add3A_108 : i32
          %dma_start3A_110 = arith.constant 0 : i32
          %dma_start3A_111 = arith.constant 0 : i32
          %dma_start3A_112 = tpu.memref_slice %arg2[%dma_start3A_110, %dma_start3A_111] : memref<10240x128xf32, #tpu.memory_space<hbm>> -> memref<10240x128xf32, #tpu.memory_space<hbm>>
          tpu.enqueue_indirect_dma source(%dma_start3A_112 : memref<10240x128xf32, #tpu.memory_space<hbm>>) target(%arg11 : memref<128x128xf32, #tpu.memory_space<vmem>>) offsets(%arg7 : memref<128xi32, #tpu.memory_space<vmem>>) semaphore(%arg16 : memref<!tpu.dma_semaphore, #tpu.memory_space<semaphore_mem>>)
        } else {
        }
        %dma_wait3A_87 = arith.constant 0 : i32
        %dma_wait3A_88 = arith.constant 0 : i32
        %dma_wait3A_89 = tpu.memref_slice %arg2[%dma_wait3A_87, %dma_wait3A_88] : memref<10240x128xf32, #tpu.memory_space<hbm>> -> memref<10240x128xf32, #tpu.memory_space<hbm>>
        tpu.wait_indirect_dma semaphore(%arg17 : memref<!tpu.dma_semaphore, #tpu.memory_space<semaphore_mem>>) src(%dma_wait3A_89 : memref<10240x128xf32, #tpu.memory_space<hbm>>) dst(%arg12 : memref<128x128xf32, #tpu.memory_space<vmem>>)
        "tpu.region"() ({
          %run_scoped3A = tpu.sem_alloc : memref<!tpu.dma_semaphore, #tpu.memory_space<semaphore_mem>>
          %dma_start3A_96 = arith.constant 0 : i32
          %dma_start3A_97 = arith.constant 0 : i32
          %dma_start3A_98 = tpu.memref_slice %arg13[%dma_start3A_96, %dma_start3A_97] : memref<10240x128xf32, #tpu.memory_space<vmem_shared>> -> memref<10240x128xf32, #tpu.memory_space<vmem_shared>>
          tpu.enqueue_indirect_dma source(%arg12 : memref<128x128xf32, #tpu.memory_space<vmem>>) target(%dma_start3A_98 : memref<10240x128xf32, #tpu.memory_space<vmem_shared>>) offsets(%arg10 : memref<128xi32, #tpu.memory_space<vmem>>) semaphore(%run_scoped3A : memref<!tpu.dma_semaphore, #tpu.memory_space<semaphore_mem>>) {add = true}
          %dma_wait3A_99 = arith.constant 0 : i32
          %dma_wait3A_100 = arith.constant 0 : i32
          %dma_wait3A_101 = tpu.memref_slice %arg13[%dma_wait3A_99, %dma_wait3A_100] : memref<10240x128xf32, #tpu.memory_space<vmem_shared>> -> memref<10240x128xf32, #tpu.memory_space<vmem_shared>>
          tpu.wait_indirect_dma semaphore(%run_scoped3A : memref<!tpu.dma_semaphore, #tpu.memory_space<semaphore_mem>>) src(%arg12 : memref<128x128xf32, #tpu.memory_space<vmem>>) dst(%dma_wait3A_101 : memref<10240x128xf32, #tpu.memory_space<vmem_shared>>)
          tpu.yield
        }) : () -> ()
        %add3A_90 = arith.constant 2 : i32
        %add3A_91 = arith.addi %add3A_76, %add3A_90 : i32
        %lt3A_92 = arith.cmpi slt, %add3A_91, %select_n3A_2 : i32
        %convert_element_type3A_93 = arith.extui %lt3A_92 : i1 to i32
        %cond3A_94 = arith.constant 0 : i32
        %cond3A_95 = arith.cmpi ne, %convert_element_type3A_93, %cond3A_94 : i32
        scf.if %cond3A_95 {
          %add3A_96 = arith.constant 2 : i32
          %add3A_97 = arith.addi %add3A_76, %add3A_96 : i32
          %add3A_98 = arith.addi %select_n3A_9, %add3A_97 : i32
          %dma_start3A_99 = arith.constant 0 : i32
          %dma_start3A_100 = tpu.memref_slice %arg3[%add3A_98, %dma_start3A_99] : memref<2528x128xi32, #tpu.memory_space<hbm>> -> memref<1x128xi32, #tpu.memory_space<hbm>>
          %dma_start3A_101 = tpu.memref_squeeze %dma_start3A_100 : memref<1x128xi32, #tpu.memory_space<hbm>> -> memref<128xi32, #tpu.memory_space<hbm>>
          %dma_start3A_102 = arith.constant 0 : i32
          %dma_start3A_103 = tpu.memref_slice %arg3[%add3A_98, %dma_start3A_102] : memref<2528x128xi32, #tpu.memory_space<hbm>> -> memref<1x128xi32, #tpu.memory_space<hbm>>
          %dma_start3A_104 = tpu.memref_squeeze %dma_start3A_103 : memref<1x128xi32, #tpu.memory_space<hbm>> -> memref<128xi32, #tpu.memory_space<hbm>>
          tpu.enqueue_dma source(%dma_start3A_104 : memref<128xi32, #tpu.memory_space<hbm>>) target(%arg8 : memref<128xi32, #tpu.memory_space<vmem>>) target_semaphore(%arg15 : memref<!tpu.dma_semaphore, #tpu.memory_space<semaphore_mem>>)
          %add3A_105 = arith.addi %select_n3A_9, %add3A_97 : i32
          %dma_start3A_106 = arith.constant 0 : i32
          %dma_start3A_107 = tpu.memref_slice %arg4[%add3A_105, %dma_start3A_106] : memref<2528x128xi32, #tpu.memory_space<hbm>> -> memref<1x128xi32, #tpu.memory_space<hbm>>
          %dma_start3A_108 = tpu.memref_squeeze %dma_start3A_107 : memref<1x128xi32, #tpu.memory_space<hbm>> -> memref<128xi32, #tpu.memory_space<hbm>>
          %dma_start3A_109 = arith.constant 0 : i32
          %dma_start3A_110 = tpu.memref_slice %arg4[%add3A_105, %dma_start3A_109] : memref<2528x128xi32, #tpu.memory_space<hbm>> -> memref<1x128xi32, #tpu.memory_space<hbm>>
          %dma_start3A_111 = tpu.memref_squeeze %dma_start3A_110 : memref<1x128xi32, #tpu.memory_space<hbm>> -> memref<128xi32, #tpu.memory_space<hbm>>
          tpu.enqueue_dma source(%dma_start3A_111 : memref<128xi32, #tpu.memory_space<hbm>>) target(%arg10 : memref<128xi32, #tpu.memory_space<vmem>>) target_semaphore(%arg15 : memref<!tpu.dma_semaphore, #tpu.memory_space<semaphore_mem>>)
        } else {
        }
      } else {
      }
    }
    %scan3A_61 = arith.constant 67 : i32
    %barrier3A_62 = arith.constant 0 : index
    tpu.barrier barrier_id(%barrier3A_62)
    %mul3A_63 = arith.constant 640 : i32
    %mul3A_64 = arith.muli %arg1, %mul3A_63 : i32
    %mul3A_65 = arith.constant 640 : i32
    %mul3A_66 = arith.muli %arg1, %mul3A_65 : i32
    "tpu.region"() ({
      %run_scoped3A = tpu.sem_alloc : memref<!tpu.dma_semaphore, #tpu.memory_space<semaphore_mem>>
      %dma_start3A_67 = arith.constant 0 : i32
      %dma_start3A_68 = tpu.memref_slice %arg6[%arg0, %mul3A_66, %dma_start3A_67] : memref<2x10240x128xf32, #tpu.memory_space<hbm>> -> memref<1x640x128xf32, #tpu.memory_space<hbm>>
      %dma_start3A_69 = tpu.memref_squeeze %dma_start3A_68 : memref<1x640x128xf32, #tpu.memory_space<hbm>> -> memref<640x128xf32, #tpu.memory_space<hbm>>
      %dma_start3A_70 = arith.constant 0 : i32
      %dma_start3A_71 = tpu.memref_slice %arg13[%mul3A_64, %dma_start3A_70] : memref<10240x128xf32, #tpu.memory_space<vmem_shared>> -> memref<640x128xf32, #tpu.memory_space<vmem_shared>>
      tpu.enqueue_dma source(%dma_start3A_71 : memref<640x128xf32, #tpu.memory_space<vmem_shared>>) target(%dma_start3A_69 : memref<640x128xf32, #tpu.memory_space<hbm>>) target_semaphore(%run_scoped3A : memref<!tpu.dma_semaphore, #tpu.memory_space<semaphore_mem>>)
      %dma_wait3A_72 = arith.constant 0 : i32
      %dma_wait3A_73 = tpu.memref_slice %arg6[%arg0, %mul3A_66, %dma_wait3A_72] : memref<2x10240x128xf32, #tpu.memory_space<hbm>> -> memref<1x640x128xf32, #tpu.memory_space<hbm>>
      %dma_wait3A_74 = tpu.memref_squeeze %dma_wait3A_73 : memref<1x640x128xf32, #tpu.memory_space<hbm>> -> memref<640x128xf32, #tpu.memory_space<hbm>>
      %dma_wait3A_75 = arith.constant 0 : i32
      %dma_wait3A_76 = tpu.memref_slice %arg13[%mul3A_64, %dma_wait3A_75] : memref<10240x128xf32, #tpu.memory_space<vmem_shared>> -> memref<640x128xf32, #tpu.memory_space<vmem_shared>>
      tpu.wait_dma2 semaphore(%run_scoped3A : memref<!tpu.dma_semaphore, #tpu.memory_space<semaphore_mem>>) src(%dma_wait3A_76 : memref<640x128xf32, #tpu.memory_space<vmem_shared>>) dst(%dma_wait3A_74 : memref<640x128xf32, #tpu.memory_space<hbm>>)
      tpu.yield
    }) : () -> ()
    return
  }
}

module attributes {stable_mosaic.version = 14 : i64} {
  func.func @_pre_body(%arg0: i32, %arg1: memref<1280x128xf32, #tpu.memory_space<vmem>>, %arg2: memref<128x128xf32, #tpu.memory_space<vmem>>, %arg3: memref<2x1280x128xf32, #tpu.memory_space<vmem>>, %arg4: memref<1280x128xf32, #tpu.memory_space<vmem>>, %arg5: memref<1280x128xf32, #tpu.memory_space<vmem>>) attributes {dimension_semantics = [#tpu.dimension_semantics<arbitrary>], iteration_bounds = array<i64: 8>, scalar_prefetch = 0 : i64, scratch_operands = 0 : i64, tpu.core_type = #tpu.core_type<tc>, window_params = [{transform_indices = @transform_0, window_bounds = array<i64: 1280, 128>}, {pipeline_mode = #tpu.pipeline_mode<synchronous>, transform_indices = @transform_1, window_bounds = array<i64: 128, 128>}, {transform_indices = @transform_2, window_bounds = array<i64: 2, 1280, 128>}, {transform_indices = @transform_3, window_bounds = array<i64: 1280, 128>}, {transform_indices = @transform_4, window_bounds = array<i64: 1280, 128>}]} {
    %get3A = arith.constant 0 : index
    %get3A_0 = arith.constant 0 : index
    %get3A_1 = arith.constant 0 : index
    %get3A_2 = vector.load %arg3[%get3A, %get3A_0, %get3A_1] : memref<2x1280x128xf32, #tpu.memory_space<vmem>>, vector<2x1280x128xf32>
    %slice3A = vector.extract_strided_slice %get3A_2 {offsets = [0, 0, 0], sizes = [1, 1280, 1], strides = [1, 1, 1]} : vector<2x1280x128xf32> to vector<1x1280x1xf32>
    %squeeze3A = vector.shape_cast %slice3A : vector<1x1280x1xf32> to vector<1280x1xf32>
    %add3A = arith.constant 1.000000e+00 : f32
    %add3A_3 = vector.broadcast %add3A : f32 to vector<1280x1xf32>
    %add3A_4 = arith.addf %add3A_3, %squeeze3A : vector<1280x1xf32>
    %slice3A_5 = vector.extract_strided_slice %get3A_2 {offsets = [1, 0, 0], sizes = [1, 1280, 1], strides = [1, 1, 1]} : vector<2x1280x128xf32> to vector<1x1280x1xf32>
    %squeeze3A_6 = vector.shape_cast %slice3A_5 : vector<1x1280x1xf32> to vector<1280x1xf32>
    %add3A_7 = arith.addf %add3A_4, %squeeze3A_6 : vector<1280x1xf32>
    %rsqrt3A = math.rsqrt %add3A_7 : vector<1280x1xf32>
    %get3A_8 = arith.constant 0 : index
    %get3A_9 = arith.constant 0 : index
    %get3A_10 = vector.load %arg1[%get3A_8, %get3A_9] : memref<1280x128xf32, #tpu.memory_space<vmem>>, vector<1280x128xf32>
    %get3A_11 = arith.constant 0 : index
    %get3A_12 = arith.constant 0 : index
    %get3A_13 = vector.load %arg2[%get3A_11, %get3A_12] : memref<128x128xf32, #tpu.memory_space<vmem>>, vector<128x128xf32>
    %dot_general3A = arith.constant dense<0.000000e+00> : vector<1280x128xf32>
    %dot_general3A_14 = tpu.matmul %get3A_10, %get3A_13, %dot_general3A {dimension_numbers = #tpu.dot_dimension_numbers<[1], [0], [0], [1], [0, 0, 1, 1], [], []>, transpose_lhs_hint = false} : vector<1280x128xf32>, vector<128x128xf32>, vector<1280x128xf32> -> vector<1280x128xf32>
    %swap3A = arith.constant 0 : index
    %swap3A_15 = arith.constant 0 : index
    %swap3A_16 = vector.load %arg4[%swap3A, %swap3A_15] : memref<1280x128xf32, #tpu.memory_space<vmem>>, vector<1280x128xf32>
    tpu.vector_store %arg4[%swap3A, %swap3A_15], %dot_general3A_14 {strides = array<i32>} : memref<1280x128xf32, #tpu.memory_space<vmem>>, vector<1280x128xf32>,
    %mul3A = vector.broadcast %rsqrt3A : vector<1280x1xf32> to vector<1280x128xf32>
    %mul3A_17 = arith.mulf %dot_general3A_14, %mul3A : vector<1280x128xf32>
    %swap3A_18 = arith.constant 0 : index
    %swap3A_19 = arith.constant 0 : index
    %swap3A_20 = vector.load %arg5[%swap3A_18, %swap3A_19] : memref<1280x128xf32, #tpu.memory_space<vmem>>, vector<1280x128xf32>
    tpu.vector_store %arg5[%swap3A_18, %swap3A_19], %mul3A_17 {strides = array<i32>} : memref<1280x128xf32, #tpu.memory_space<vmem>>, vector<1280x128xf32>,
    return
  }
  func.func @transform_0(%arg0: i32) -> (i32, i32) {
    %c0_i32 = arith.constant 0 : i32
    %c0_i32_0 = arith.constant 0 : i32
    return %arg0, %c0_i32 : i32, i32
  }
  func.func @transform_1(%arg0: i32) -> (i32, i32) {
    %c0_i32 = arith.constant 0 : i32
    %c0_i32_0 = arith.constant 0 : i32
    %c0_i32_1 = arith.constant 0 : i32
    return %c0_i32, %c0_i32_0 : i32, i32
  }
  func.func @transform_2(%arg0: i32) -> (i32, i32, i32) {
    %c0_i32 = arith.constant 0 : i32
    %c0_i32_0 = arith.constant 0 : i32
    %c0_i32_1 = arith.constant 0 : i32
    return %c0_i32, %arg0, %c0_i32_0 : i32, i32, i32
  }
  func.func @transform_3(%arg0: i32) -> (i32, i32) {
    %c0_i32 = arith.constant 0 : i32
    %c0_i32_0 = arith.constant 0 : i32
    return %arg0, %c0_i32 : i32, i32
  }
  func.func @transform_4(%arg0: i32) -> (i32, i32) {
    %c0_i32 = arith.constant 0 : i32
    %c0_i32_0 = arith.constant 0 : i32
    return %arg0, %c0_i32 : i32, i32
  }
}

module attributes {stable_mosaic.version = 14 : i64} {
  func.func @_mid_body(%arg0: i32, %arg1: memref<2x1280x128xf32, #tpu.memory_space<vmem>>, %arg2: memref<1280x128xf32, #tpu.memory_space<vmem>>, %arg3: memref<2x1280x128xf32, #tpu.memory_space<vmem>>, %arg4: memref<1x128xf32, #tpu.memory_space<vmem>>, %arg5: memref<128x128xf32, #tpu.memory_space<vmem>>, %arg6: memref<1280x128xf32, #tpu.memory_space<vmem>>, %arg7: memref<1280x128xf32, #tpu.memory_space<vmem>>) attributes {dimension_semantics = [#tpu.dimension_semantics<arbitrary>], iteration_bounds = array<i64: 8>, scalar_prefetch = 0 : i64, scratch_operands = 0 : i64, tpu.core_type = #tpu.core_type<tc>, window_params = [{transform_indices = @transform_0, window_bounds = array<i64: 2, 1280, 128>}, {transform_indices = @transform_1, window_bounds = array<i64: 1280, 128>}, {transform_indices = @transform_2, window_bounds = array<i64: 2, 1280, 128>}, {pipeline_mode = #tpu.pipeline_mode<synchronous>, transform_indices = @transform_3, window_bounds = array<i64: 1, 128>}, {pipeline_mode = #tpu.pipeline_mode<synchronous>, transform_indices = @transform_4, window_bounds = array<i64: 128, 128>}, {transform_indices = @transform_5, window_bounds = array<i64: 1280, 128>}, {transform_indices = @transform_6, window_bounds = array<i64: 1280, 128>}]} {
    %get3A = arith.constant 0 : index
    %get3A_0 = arith.constant 0 : index
    %get3A_1 = arith.constant 0 : index
    %get3A_2 = vector.load %arg3[%get3A, %get3A_0, %get3A_1] : memref<2x1280x128xf32, #tpu.memory_space<vmem>>, vector<2x1280x128xf32>
    %slice3A = vector.extract_strided_slice %get3A_2 {offsets = [0, 0, 0], sizes = [1, 1280, 1], strides = [1, 1, 1]} : vector<2x1280x128xf32> to vector<1x1280x1xf32>
    %squeeze3A = vector.shape_cast %slice3A : vector<1x1280x1xf32> to vector<1280x1xf32>
    %add3A = arith.constant 1.000000e+00 : f32
    %add3A_3 = vector.broadcast %add3A : f32 to vector<1280x1xf32>
    %add3A_4 = arith.addf %add3A_3, %squeeze3A : vector<1280x1xf32>
    %slice3A_5 = vector.extract_strided_slice %get3A_2 {offsets = [1, 0, 0], sizes = [1, 1280, 1], strides = [1, 1, 1]} : vector<2x1280x128xf32> to vector<1x1280x1xf32>
    %squeeze3A_6 = vector.shape_cast %slice3A_5 : vector<1x1280x1xf32> to vector<1280x1xf32>
    %add3A_7 = arith.addf %add3A_4, %squeeze3A_6 : vector<1280x1xf32>
    %rsqrt3A = math.rsqrt %add3A_7 : vector<1280x1xf32>
    %get3A_8 = arith.constant 0 : index
    %get3A_9 = arith.constant 0 : index
    %get3A_10 = arith.constant 0 : index
    %get3A_11 = vector.load %arg1[%get3A_8, %get3A_9, %get3A_10] : memref<2x1280x128xf32, #tpu.memory_space<vmem>>, vector<1x1280x128xf32>
    %get3A_12 = vector.shape_cast %get3A_11 : vector<1x1280x128xf32> to vector<1280x128xf32>
    %get3A_13 = arith.constant 1 : index
    %get3A_14 = arith.constant 0 : index
    %get3A_15 = arith.constant 0 : index
    %get3A_16 = vector.load %arg1[%get3A_13, %get3A_14, %get3A_15] : memref<2x1280x128xf32, #tpu.memory_space<vmem>>, vector<1x1280x128xf32>
    %get3A_17 = vector.shape_cast %get3A_16 : vector<1x1280x128xf32> to vector<1280x128xf32>
    %add3A_18 = arith.addf %get3A_12, %get3A_17 : vector<1280x128xf32>
    %mul3A = vector.broadcast %rsqrt3A : vector<1280x1xf32> to vector<1280x128xf32>
    %mul3A_19 = arith.mulf %mul3A, %add3A_18 : vector<1280x128xf32>
    %mul3A_20 = arith.mulf %rsqrt3A, %rsqrt3A : vector<1280x1xf32>
    %get3A_21 = arith.constant 0 : index
    %get3A_22 = arith.constant 0 : index
    %get3A_23 = vector.load %arg2[%get3A_21, %get3A_22] : memref<1280x128xf32, #tpu.memory_space<vmem>>, vector<1280x128xf32>
    %mul3A_24 = vector.broadcast %mul3A_20 : vector<1280x1xf32> to vector<1280x128xf32>
    %mul3A_25 = arith.mulf %mul3A_24, %get3A_23 : vector<1280x128xf32>
    %add3A_26 = arith.addf %mul3A_19, %mul3A_25 : vector<1280x128xf32>
    %get3A_27 = arith.constant 0 : index
    %get3A_28 = arith.constant 0 : index
    %get3A_29 = vector.load %arg4[%get3A_27, %get3A_28] : memref<1x128xf32, #tpu.memory_space<vmem>>, vector<1x128xf32>
    %add3A_30 = vector.broadcast %get3A_29 : vector<1x128xf32> to vector<1280x128xf32>
    %add3A_31 = arith.addf %add3A_26, %add3A_30 : vector<1280x128xf32>
    %mul3A_32 = arith.constant 1280 : i32
    %mul3A_33 = arith.muli %arg0, %mul3A_32 : i32
    %iota3A = tpu.iota {dimensions = array<i32: 0>} : vector<1280x1xi32>
    %add3A_34 = vector.broadcast %mul3A_33 : i32 to vector<1280x1xi32>
    %add3A_35 = arith.addi %add3A_34, %iota3A : vector<1280x1xi32>
    %lt3A = arith.constant 10000 : i32
    %lt3A_36 = vector.broadcast %lt3A : i32 to vector<1280x1xi32>
    %lt3A_37 = arith.cmpi slt, %add3A_35, %lt3A_36 : vector<1280x1xi32>
    %max3A = arith.constant 0.000000e+00 : f32
    %max3A_38 = vector.broadcast %max3A : f32 to vector<1280x128xf32>
    %max3A_39 = arith.maximumf %add3A_31, %max3A_38 : vector<1280x128xf32>
    %jit3A = arith.constant 0.000000e+00 : f32
    %broadcast_in_dim3A = vector.shape_cast %lt3A_37 : vector<1280x1xi1> to vector<1280x1xi1>
    %broadcast_in_dim3A_40 = vector.broadcast %broadcast_in_dim3A : vector<1280x1xi1> to vector<1280x128xi1>
    %broadcast_in_dim3A_41 = vector.broadcast %jit3A : f32 to vector<1280x128xf32>
    %select_n3A = arith.select %broadcast_in_dim3A_40, %max3A_39, %broadcast_in_dim3A_41 : vector<1280x128xi1>, vector<1280x128xf32>
    %get3A_42 = arith.constant 0 : index
    %get3A_43 = arith.constant 0 : index
    %get3A_44 = vector.load %arg5[%get3A_42, %get3A_43] : memref<128x128xf32, #tpu.memory_space<vmem>>, vector<128x128xf32>
    %dot_general3A = arith.constant dense<0.000000e+00> : vector<1280x128xf32>
    %dot_general3A_45 = tpu.matmul %select_n3A, %get3A_44, %dot_general3A {dimension_numbers = #tpu.dot_dimension_numbers<[1], [0], [0], [1], [0, 0, 1, 1], [], []>, transpose_lhs_hint = false} : vector<1280x128xf32>, vector<128x128xf32>, vector<1280x128xf32> -> vector<1280x128xf32>
    %swap3A = arith.constant 0 : index
    %swap3A_46 = arith.constant 0 : index
    %swap3A_47 = vector.load %arg6[%swap3A, %swap3A_46] : memref<1280x128xf32, #tpu.memory_space<vmem>>, vector<1280x128xf32>
    tpu.vector_store %arg6[%swap3A, %swap3A_46], %dot_general3A_45 {strides = array<i32>} : memref<1280x128xf32, #tpu.memory_space<vmem>>, vector<1280x128xf32>,
    %mul3A_48 = vector.broadcast %rsqrt3A : vector<1280x1xf32> to vector<1280x128xf32>
    %mul3A_49 = arith.mulf %dot_general3A_45, %mul3A_48 : vector<1280x128xf32>
    %swap3A_50 = arith.constant 0 : index
    %swap3A_51 = arith.constant 0 : index
    %swap3A_52 = vector.load %arg7[%swap3A_50, %swap3A_51] : memref<1280x128xf32, #tpu.memory_space<vmem>>, vector<1280x128xf32>
    tpu.vector_store %arg7[%swap3A_50, %swap3A_51], %mul3A_49 {strides = array<i32>} : memref<1280x128xf32, #tpu.memory_space<vmem>>, vector<1280x128xf32>,
    return
  }
  func.func @transform_0(%arg0: i32) -> (i32, i32, i32) {
    %c0_i32 = arith.constant 0 : i32
    %c0_i32_0 = arith.constant 0 : i32
    %c0_i32_1 = arith.constant 0 : i32
    return %c0_i32, %arg0, %c0_i32_0 : i32, i32, i32
  }
  func.func @transform_1(%arg0: i32) -> (i32, i32) {
    %c0_i32 = arith.constant 0 : i32
    %c0_i32_0 = arith.constant 0 : i32
    return %arg0, %c0_i32 : i32, i32
  }
  func.func @transform_2(%arg0: i32) -> (i32, i32, i32) {
    %c0_i32 = arith.constant 0 : i32
    %c0_i32_0 = arith.constant 0 : i32
    %c0_i32_1 = arith.constant 0 : i32
    return %c0_i32, %arg0, %c0_i32_0 : i32, i32, i32
  }
  func.func @transform_3(%arg0: i32) -> (i32, i32) {
    %c0_i32 = arith.constant 0 : i32
    %c0_i32_0 = arith.constant 0 : i32
    %c0_i32_1 = arith.constant 0 : i32
    return %c0_i32, %c0_i32_0 : i32, i32
  }
  func.func @transform_4(%arg0: i32) -> (i32, i32) {
    %c0_i32 = arith.constant 0 : i32
    %c0_i32_0 = arith.constant 0 : i32
    %c0_i32_1 = arith.constant 0 : i32
    return %c0_i32, %c0_i32_0 : i32, i32
  }
  func.func @transform_5(%arg0: i32) -> (i32, i32) {
    %c0_i32 = arith.constant 0 : i32
    %c0_i32_0 = arith.constant 0 : i32
    return %arg0, %c0_i32 : i32, i32
  }
  func.func @transform_6(%arg0: i32) -> (i32, i32) {
    %c0_i32 = arith.constant 0 : i32
    %c0_i32_0 = arith.constant 0 : i32
    return %arg0, %c0_i32 : i32, i32
  }
}

module attributes {stable_mosaic.version = 14 : i64} {
  func.func @_post_body(%arg0: i32, %arg1: memref<2x1280x128xf32, #tpu.memory_space<vmem>>, %arg2: memref<1280x128xf32, #tpu.memory_space<vmem>>, %arg3: memref<2x1280x128xf32, #tpu.memory_space<vmem>>, %arg4: memref<1x128xf32, #tpu.memory_space<vmem>>, %arg5: memref<1280x128xf32, #tpu.memory_space<vmem>>) attributes {dimension_semantics = [#tpu.dimension_semantics<arbitrary>], iteration_bounds = array<i64: 8>, scalar_prefetch = 0 : i64, scratch_operands = 0 : i64, tpu.core_type = #tpu.core_type<tc>, window_params = [{transform_indices = @transform_0, window_bounds = array<i64: 2, 1280, 128>}, {transform_indices = @transform_1, window_bounds = array<i64: 1280, 128>}, {transform_indices = @transform_2, window_bounds = array<i64: 2, 1280, 128>}, {pipeline_mode = #tpu.pipeline_mode<synchronous>, transform_indices = @transform_3, window_bounds = array<i64: 1, 128>}, {transform_indices = @transform_4, window_bounds = array<i64: 1280, 128>}]} {
    %get3A = arith.constant 0 : index
    %get3A_0 = arith.constant 0 : index
    %get3A_1 = arith.constant 0 : index
    %get3A_2 = vector.load %arg3[%get3A, %get3A_0, %get3A_1] : memref<2x1280x128xf32, #tpu.memory_space<vmem>>, vector<2x1280x128xf32>
    %slice3A = vector.extract_strided_slice %get3A_2 {offsets = [0, 0, 0], sizes = [1, 1280, 1], strides = [1, 1, 1]} : vector<2x1280x128xf32> to vector<1x1280x1xf32>
    %squeeze3A = vector.shape_cast %slice3A : vector<1x1280x1xf32> to vector<1280x1xf32>
    %add3A = arith.constant 1.000000e+00 : f32
    %add3A_3 = vector.broadcast %add3A : f32 to vector<1280x1xf32>
    %add3A_4 = arith.addf %add3A_3, %squeeze3A : vector<1280x1xf32>
    %slice3A_5 = vector.extract_strided_slice %get3A_2 {offsets = [1, 0, 0], sizes = [1, 1280, 1], strides = [1, 1, 1]} : vector<2x1280x128xf32> to vector<1x1280x1xf32>
    %squeeze3A_6 = vector.shape_cast %slice3A_5 : vector<1x1280x1xf32> to vector<1280x1xf32>
    %add3A_7 = arith.addf %add3A_4, %squeeze3A_6 : vector<1280x1xf32>
    %rsqrt3A = math.rsqrt %add3A_7 : vector<1280x1xf32>
    %get3A_8 = arith.constant 0 : index
    %get3A_9 = arith.constant 0 : index
    %get3A_10 = arith.constant 0 : index
    %get3A_11 = vector.load %arg1[%get3A_8, %get3A_9, %get3A_10] : memref<2x1280x128xf32, #tpu.memory_space<vmem>>, vector<1x1280x128xf32>
    %get3A_12 = vector.shape_cast %get3A_11 : vector<1x1280x128xf32> to vector<1280x128xf32>
    %get3A_13 = arith.constant 1 : index
    %get3A_14 = arith.constant 0 : index
    %get3A_15 = arith.constant 0 : index
    %get3A_16 = vector.load %arg1[%get3A_13, %get3A_14, %get3A_15] : memref<2x1280x128xf32, #tpu.memory_space<vmem>>, vector<1x1280x128xf32>
    %get3A_17 = vector.shape_cast %get3A_16 : vector<1x1280x128xf32> to vector<1280x128xf32>
    %add3A_18 = arith.addf %get3A_12, %get3A_17 : vector<1280x128xf32>
    %mul3A = vector.broadcast %rsqrt3A : vector<1280x1xf32> to vector<1280x128xf32>
    %mul3A_19 = arith.mulf %mul3A, %add3A_18 : vector<1280x128xf32>
    %mul3A_20 = arith.mulf %rsqrt3A, %rsqrt3A : vector<1280x1xf32>
    %get3A_21 = arith.constant 0 : index
    %get3A_22 = arith.constant 0 : index
    %get3A_23 = vector.load %arg2[%get3A_21, %get3A_22] : memref<1280x128xf32, #tpu.memory_space<vmem>>, vector<1280x128xf32>
    %mul3A_24 = vector.broadcast %mul3A_20 : vector<1280x1xf32> to vector<1280x128xf32>
    %mul3A_25 = arith.mulf %mul3A_24, %get3A_23 : vector<1280x128xf32>
    %add3A_26 = arith.addf %mul3A_19, %mul3A_25 : vector<1280x128xf32>
    %get3A_27 = arith.constant 0 : index
    %get3A_28 = arith.constant 0 : index
    %get3A_29 = vector.load %arg4[%get3A_27, %get3A_28] : memref<1x128xf32, #tpu.memory_space<vmem>>, vector<1x128xf32>
    %add3A_30 = vector.broadcast %get3A_29 : vector<1x128xf32> to vector<1280x128xf32>
    %add3A_31 = arith.addf %add3A_26, %add3A_30 : vector<1280x128xf32>
    %max3A = arith.constant 0.000000e+00 : f32
    %max3A_32 = vector.broadcast %max3A : f32 to vector<1280x128xf32>
    %max3A_33 = arith.maximumf %add3A_31, %max3A_32 : vector<1280x128xf32>
    %swap3A = arith.constant 0 : index
    %swap3A_34 = arith.constant 0 : index
    %swap3A_35 = vector.load %arg5[%swap3A, %swap3A_34] : memref<1280x128xf32, #tpu.memory_space<vmem>>, vector<1280x128xf32>
    tpu.vector_store %arg5[%swap3A, %swap3A_34], %max3A_33 {strides = array<i32>} : memref<1280x128xf32, #tpu.memory_space<vmem>>, vector<1280x128xf32>,
    return
  }
  func.func @transform_0(%arg0: i32) -> (i32, i32, i32) {
    %c0_i32 = arith.constant 0 : i32
    %c0_i32_0 = arith.constant 0 : i32
    %c0_i32_1 = arith.constant 0 : i32
    return %c0_i32, %arg0, %c0_i32_0 : i32, i32, i32
  }
  func.func @transform_1(%arg0: i32) -> (i32, i32) {
    %c0_i32 = arith.constant 0 : i32
    %c0_i32_0 = arith.constant 0 : i32
    return %arg0, %c0_i32 : i32, i32
  }
  func.func @transform_2(%arg0: i32) -> (i32, i32, i32) {
    %c0_i32 = arith.constant 0 : i32
    %c0_i32_0 = arith.constant 0 : i32
    %c0_i32_1 = arith.constant 0 : i32
    return %c0_i32, %arg0, %c0_i32_0 : i32, i32, i32
  }
  func.func @transform_3(%arg0: i32) -> (i32, i32) {
    %c0_i32 = arith.constant 0 : i32
    %c0_i32_0 = arith.constant 0 : i32
    %c0_i32_1 = arith.constant 0 : i32
    return %c0_i32, %c0_i32_0 : i32, i32
  }
  func.func @transform_4(%arg0: i32) -> (i32, i32) {
    %c0_i32 = arith.constant 0 : i32
    %c0_i32_0 = arith.constant 0 : i32
    return %arg0, %c0_i32 : i32, i32
  }
}

</mosaic_0001>

<sc_bundles>
// kernel: kernel.11.cloned.1.call-start
scs
__scs_entry_jumppad:
0x0: {  	(pc) =	sbr.rel $0x88, $3  }
0x1: {  	(tag) =	ssettag $0x0;
	lr =	simm.s32 $0x1  }
0x2: {  	[smem:$0x3F9B] =	sst lr;
	_ =	strace $0xD0000000  }
0x3: {  	_ = 	snop  }
0x4: {  	_ = 	snop  }
0x5: {  	_ = 	snop  }
0x6: {  	_ = 	snop  }
0x7: {  	_ = 	snop  }
__scs_overlays_trampoline_lowered:
0x8: {  	[smem:$0x3FAA] =	sst s0  }
0x9: {  	[smem:$0x3FAB] =	sst s1  }
0xa: {  	[smem:$0x3FAC] =	sst s2  }
0xb: {  	[smem:$0x3FAD] =	sst s3  }
0xc: {  	[smem:$0x3FAE] =	sst s4  }
0xd: {  	[smem:$0x3FAF] =	sst s5  }
0xe: {  	[smem:$0x3FB0] =	sst s6  }
0xf: {  	[smem:$0x3FB1] =	sst s7  }
0x10: {  	[smem:$0x3FB2] =	sst s8  }
0x11: {  	[smem:$0x3FB3] =	sst s9;
	s0 =	simm.s32 @!p0 $0x0  }
0x12: {  	s1 =	sld [smem:$0x3F99];
	s0 =	simm.s32 @p0 $0x1  }
0x13: {  	[smem:$0x3FB4] =	sst s0;
	s0 =	simm.s32 @!p1 $0x0  }
0x14: {  	s2 =	sld [smem:$0x3F98];
	s0 =	simm.s32 @p1 $0x1  }
0x15: {  	[smem:$0x3FB5] =	sst s0;
	s0 =	simm.s32 @!p2 $0x0  }
0x16: {  	s3 =	sld [smem:$0x3FDB];
	s0 =	simm.s32 @p2 $0x1  }
0x17: {  	s4 =	simm.s32 $0x1BF5;
	[smem:$0x3FB7] =	sst s0  }
0x18: {  	s0 =	sld [smem:$0x3F9A];
	_ =	swait.ge [sflag:s4], $0x0  }
0x19: {  	s7 =	sld [smem:$0x3F9B]  }
0x1a: {  	s8 =	sadd.s32 $0xFFFFE003, lr  }
0x1b: {  	s9 =	sadd.s32 $0xFFFFFEF7, lr;
	s5 =	simm.s32 $0xFFFFFFFF;
	p2 =	slt.u32 s8, $0xFFFFF086  }
0x1c: {  	p1 =	slt.u32 s9, $0xF7A;
	s5 =	simm.s32 @!p2 $0x0  }
0x1d: {  	s5 =	simm.s32 @p1 $0x1;
	p0 =	seq.s32 s7, s2  }
0x1e: {  	s7 =	smul.u32 @!p0 $0xF7A, s2;
	p2 =	seq.s32 @!p0 s5, $0x0  }
0x1f: {  	s9 =	smul.u32 $0xF7A, s1;
	s8 =	simm.s32 @!p0 $0x1BF5;
	p2 =	por !p2, p0  }
0x20: {  	[sflag:s8] =	ssyncset.s32 @!p0 $0xFFFFF086;
	s6 =	sadd.s32 @!p0 s3, s7;
	s7 =	simm.s32 @!p0 $0x108  }
0x21: {  	s3 =	sadd.s32 s3, s9;
	s6 =	sadd.s32 @!p0 $0x88, s6;
	s7 =	simm.s32 @p2 $0x1082  }
0x22: {  	[simem:s7], [sflag:s8] =	dma.local @!p0 [hbm:s6], $0xF7A  }
0x23: {  	s9 =	sor.u32 $0xD0000000, s2;
	s6 =	simm.s32 $0x108;
	_ =	swait.ge @!p0 [sflag:s8], $0x0  }
0x24: {  	s3 =	sadd.s32 $0x88, s3;
	s6 =	simm.s32 @!p1 $0x1082;
	[sflag:s4] =	ssyncset.s32 $0xFFFFF086  }
0x25: {  	[simem:s6], [sflag:s4] =	dma.local [hbm:s3], $0xF7A  }
0x26: {  	[smem:$0x3F9B] =	sst s1;
	(tag) =	ssettag s2;
	_ =	strace s9  }
0x27: {  	s1 =	sld [smem:$0x3FAB]  }
0x28: {  	s2 =	sld [smem:$0x3FAC]  }
0x29: {  	s4 =	sld [smem:$0x3FAE]  }
0x2a: {  	p0 =	seq.s32 s5, $0x0;
	s5 =	sld [smem:$0x3FAF]  }
0x2b: {  	s6 =	sld [smem:$0x3FB0]  }
0x2c: {  	s7 =	sld [smem:$0x3FB1]  }
0x2d: {  	s3 =	simm.s32 $0x108;
	s8 =	sld [smem:$0x3FB2]  }
0x2e: {  	s3 =	simm.s32 @!p0 $0x1082;
	s9 =	sld [smem:$0x3FB3]  }
0x2f: {  	lr =	sadd.s32 s0, s3;
	s0 =	sld [smem:$0x3FAA]  }
0x30: {  	s3 =	sld [smem:$0x3FAD]  }
0x31: {  	[smem:$0x3FB6] =	sst s10  }
0x32: {  	s10 =	sld [smem:$0x3FB4];
	_ =	sdelay $0x3  }
0x33: {  	p0 =	seq.s32 s10, $0x1;
	s10 =	sld [smem:$0x3FB6];
	_ =	sdelay $0x3  }
0x34: {  	[smem:$0x3FB6] =	sst s10  }
0x35: {  	s10 =	sld [smem:$0x3FB5];
	_ =	sdelay $0x3  }
0x36: {  	p1 =	seq.s32 s10, $0x1;
	s10 =	sld [smem:$0x3FB6];
	_ =	sdelay $0x3  }
0x37: {  	[smem:$0x3FB6] =	sst s10  }
0x38: {  	s10 =	sld [smem:$0x3FB7]  }
0x39: {  	_ = 	snop;
	(pc) =	sbr.ind lr, $3  }
0x3a: {  	_ = 	snop  }
0x3b: {  	_ = 	snop  }
0x3c: {  	p2 =	seq.s32 s10, $0x1;
	s10 =	sld [smem:$0x3FB6]  }
0x3d: {  	_ =	shalt  }
0x3e: {  	_ =	shalt  }
0x3f: {  	_ =	shalt  }
0x40: {  	_ =	shalt  }
0x41: {  	_ =	shalt  }
0x42: {  	_ =	shalt  }
0x43: {  	_ =	shalt  }
0x44: {  	_ =	shalt  }
0x45: {  	_ =	shalt  }
0x46: {  	_ =	shalt  }
0x47: {  	_ =	shalt  }
0x48: {  	_ =	shalt  }
0x49: {  	_ =	shalt  }
0x4a: {  	_ =	shalt  }
0x4b: {  	_ =	shalt  }
0x4c: {  	_ =	shalt  }
0x4d: {  	_ =	shalt  }
0x4e: {  	_ =	shalt  }
0x4f: {  	_ =	shalt  }
0x50: {  	_ =	shalt  }
0x51: {  	_ =	shalt  }
0x52: {  	_ =	shalt  }
0x53: {  	_ =	shalt  }
0x54: {  	_ =	shalt  }
0x55: {  	_ =	shalt  }
0x56: {  	_ =	shalt  }
0x57: {  	_ =	shalt  }
0x58: {  	_ =	shalt  }
0x59: {  	_ =	shalt  }
0x5a: {  	_ =	shalt  }
0x5b: {  	_ =	shalt  }
0x5c: {  	_ =	shalt  }
0x5d: {  	_ =	shalt  }
0x5e: {  	_ =	shalt  }
0x5f: {  	_ =	shalt  }
0x60: {  	_ =	shalt  }
0x61: {  	_ =	shalt  }
0x62: {  	_ =	shalt  }
0x63: {  	_ =	shalt  }
0x64: {  	_ =	shalt  }
0x65: {  	_ =	shalt  }
0x66: {  	_ =	shalt  }
0x67: {  	_ =	shalt  }
0x68: {  	_ =	shalt  }
0x69: {  	_ =	shalt  }
0x6a: {  	_ =	shalt  }
0x6b: {  	_ =	shalt  }
0x6c: {  	_ =	shalt  }
0x6d: {  	_ =	shalt  }
0x6e: {  	_ =	shalt  }
0x6f: {  	_ =	shalt  }
0x70: {  	_ =	shalt  }
0x71: {  	_ =	shalt  }
0x72: {  	_ =	shalt  }
0x73: {  	_ =	shalt  }
0x74: {  	_ =	shalt  }
0x75: {  	_ =	shalt  }
0x76: {  	_ =	shalt  }
0x77: {  	_ =	shalt  }
0x78: {  	_ =	shalt  }
0x79: {  	_ =	shalt  }
0x7a: {  	_ =	shalt  }
0x7b: {  	_ =	shalt  }
0x7c: {  	_ =	shalt  }
0x7d: {  	_ =	shalt  }
0x7e: {  	_ =	shalt  }
0x7f: {  	_ =	shalt  }
0x80: {  	_ =	shalt  }
0x81: {  	_ =	shalt  }
0x82: {  	_ =	shalt  }
0x83: {  	_ =	shalt  }
0x84: {  	_ =	shalt  }
0x85: {  	_ =	shalt  }
0x86: {  	_ =	shalt  }
0x87: {  	_ =	shalt  }
.Lfunc_end0:
.L_simem_size_0:
called_computation.1_lowered:
.L_overlay_start_0:
0x88: {  	s2 =	sld [smem:$0x3FD9]  }
0x89: {  	s3 =	sld [smem:$0x3FFE];
	_ =	sdelay $0x1  }
0x8a: {  	s1 =	srdreg.scid  }
0x8b: {  	s0 =	sand.u32 $0x1, s1  }
0x8c: {  	s14 =	sshll.u32 s0, $0xA;
	s2 =	sadd.s32 s3, s2  }
0x8d: {  	s2 =	sadd.s32 s2, s14  }
0x8e: {  	[smem:$0x3FC2] =	sst s2  }
0x8f: {  	_ = 	snop  }
0x90: {  	s2 =	sld [smem:$0x3FD0];
	_ =	sdelay $0x2  }
0x91: {  	s15 =	simm.s32 $0xA;
	s4 =	simm.s32 $0x10  }
0x92: {  	[smem:s4], [sflag:s15] =	dma.local [hbm:s2], $0x1  }
0x93: {  	_ =	swait.eq [sflag:s15], $0x1  }
0x94: {  	[sflag:s15] =	ssyncset.done $0x0  }
0x95: {  	s16 =	sld [smem:$0x10];
	[sflag:s15] =	ssyncadd.s32 $0xFFFFFFFF  }
0x96: {  	s17 =	sld [smem:$0x11];
	(tm) =	ssettm $0x1  }
0x97: {  	s18 =	sld [smem:$0x3FFB];
	_ =	sdelay $0x3  }
0x98: {  	_ =	strace s18  }
0x99: {  	s4 =	sld [smem:$0x3FFC];
	_ =	sdelay $0x3  }
0x9a: {  	_ =	strace s4  }
0x9b: {  	s4 =	sld [smem:$0x3FFD];
	_ =	sdelay $0x3  }
0x9c: {  	_ =	strace s4  }
0x9d: {  	_ =	strace $0x8FFFFFFF  }
0x9e: {  	s19 =	sld [smem:$0x3FDB];
	_ =	sdelay $0x1  }
0x9f: {  	s5 =	simm.s32 $_scs_section_size  }
0xa0: {  	s6 =	simm.s32 $_size__tile_overlayer_lowered;
	s7 =	simm.s32 $_tile_overlayer_lowered  }
0xa1: {  	s22 =	simm.s32 $0x1BFF;
	s21 =	sshll.u32 s7, $0x1;
	s4 =	sadd.s32 s5, s19  }
0xa2: {  	s8 =	simm.s32 $0x0;
	s20 =	sshll.u32 s6, $0x1;
	s6 =	sadd.s32 s21, s4  }
0xa3: {  	[timem:s8], [sflag:s22] =	dma.local [hbm:s6], s20  }
0xa4: {  	_ =	swait.ge [sflag:s22], s20  }
0xa5: {  	s5 =	ssub.s32 $0x0, s20;
	[sflag:s22] =	ssyncset.done $0x0  }
0xa6: {  	[sflag:s22] =	ssyncadd.s32 s5;
	_ =	sdelay $0x1  }
0xa7: {  	s23 =	simm.s32 $0x1B8B  }
0xa8: {  	_ =	swait.ge [sflag:s23], $0x1  }
0xa9: {  	[sflag:s23] =	ssyncset.done $0x0  }
0xaa: {  	s25 =	simm.s32 $0x1B8E;
	s24 =	sld [smem:$0x3FFE];
	[sflag:s23] =	ssyncadd.s32 $0xFFFFFFFF  }
0xab: {  	s26 =	simm.s32 $execute0_lowered;
	[smem:$0x3FD2] =	sst s25  }
0xac: {  	s6 =	sshll.u32 s26, $0x1;
	_ =	strace $0x80000049;
	[dreg:$0x1] =	wrdreg $0xFFFFFFFF  }
0xad: {  	s28 =	simm.s32 $_size_execute0_lowered;
	s4 =	sadd.s32 s4, s6;
	[dreg:$0x0] =	wrdreg $0x0  }
0xae: {  	s6 =	sshll.u32 s28, $0x1;
	[dreg:$0x2] =	wrdreg s4  }
0xaf: {  	[dreg:$0x3] =	wrdreg s6  }
0xb0: {  	[dreg:$0x4] =	wrdreg $0xC0  }
0xb1: {  	_ =	task [dreg:s8], $0x5FFFF  }
0xb2: {  	[dreg:$0x1] =	wrdreg $0xFFFFFFFF  }
0xb3: {  	[dreg:$0x0] =	wrdreg $0x60  }
0xb4: {  	[dreg:$0x2] =	wrdreg s24  }
0xb5: {  	[dreg:$0x3] =	wrdreg s17  }
0xb6: {  	[dreg:$0x4] =	wrdreg s16  }
0xb7: {  	[dreg:$0x5] =	wrdreg $0x82000  }
0xb8: {  	[dreg:$0x6] =	wrdreg $0x9  }
0xb9: {  	_ =	task.clear_ibuf [dreg:s8], $0x7FFFF;
	_ =	strace $0x90000049  }
0xba: {  	s29 =	simm.s32 $0x9;
	_ =	strace $0x8000004B  }
0xbb: {  	_ =	swait.ge [sflag:s29], $0x1  }
0xbc: {  	[sflag:s29] =	ssyncadd.s32 $0xFFFFFFFF  }
0xbd: {  	_ =	strace $0x9000004B  }
0xbe: {  	_ =	sfence  }
0xbf: {  	s30 =	sld [smem:$0x0];
	_ =	sdelay $0x2  }
0xc0: {  	s31 =	sshll.u32 s1, $0xD;
	s1 =	sshrl.u32 s1, $0x2  }
0xc1: {  	s3 =	sand.u32 $0x4000, s31;
	s1 =	sadd.s32 s1, s30  }
0xc2: {  	s0 =	sor.u32 s3, s0;
	s1 =	sshll.u32 s1, $0x11  }
0xc3: {  	s0 =	sor.u32 s1, s0  }
0xc4: {  	s0 =	sadd.s32 $0x8F2B, s0  }
0xc5: {  	[sflag:s0] =	ssyncadd.remote.s32 $0x1  }
0xc6: {  	_ =	sfence.sel $0xFFFF  }
0xc7: {  	[dreg:$0x0] =	wrdreg $0xFFFFFFFF;
	(pc) =	sbr.abs _section_cstart, $3  }
0xc8: {  	[dreg:$0x1] =	wrdreg $0xFFFFFFFF  }
0xc9: {  	_ =	task.clear_ibuf [dreg:s8], $0x2FFFF;
	_ =	strace $0x9FFFFFFF  }
0xca: {  	(tm) =	ssettm $0x7FFFFFFF  }
0xcb: {  	_ =	shalt  }
tec
execute0_lowered:
.L_overlay_start_1:
0x0: {  	(tag) =	ssettag $0x1  }
0x1: {  	s0 =	rddreg [dreg:$0x0]  }
0x2: {  	s10 =	rddreg [dreg:$0x1]  }
0x3: {  	s11 =	rddreg [dreg:$0x2]  }
0x4: {  	s1 =	rddreg [dreg:$0x3]  }
0x5: {  	s2 =	srdreg.scid;
	s3 =	simm.s32 $0x0;
	s24 =	stileid.u32  }
0x6: {  	s16 =	simm.s32 $0x5;
	s18 =	simm.s32 $0x80;
	s8 =	smul.u32 $0x14000, s24  }
0x7: {  	s20 =	simm.s32 $0x1;
	s21 =	simm.s32 $0x200;
	s9 =	smul.u32 $0x86, s24  }
0x8: {  	s22 =	simm.s32 $0x0;
	s6 =	sand.u32 $0x1, s2;
	s12 =	smul.u32 $0x18, s24  }
0x9: {  	[smem:$0x7FF] =	sst s3;
	s4 =	sadd.s32 $0x55200, s0;
	s13 =	smul.u32 $0x50000, s24  }
0xa: {  	s5 =	sadd.s32 $0x2200, s0;
	s29 =	sshll.u32 s24, $0x6;
	s7 =	smul.u32 $0x140000, s6  }
0xb: {  	s25 =	ssub.s32 $0x2, s6;
	p0 =	seq.s32 s6, $0x0;
	s6 =	simm.s32 $0x86  }
0xc: {  	_ =	strace $0x8000004A;
	s26 =	sshrl.u32 s25, $0x1;
	s6 =	simm.s32 @!p0 $0x18  }
0xd: {  	s28 =	sshrl.u32 s13, $0x2;
	s7 =	sadd.s32 s8, s7;
	s14 =	ssub.s32 s25, s26  }
0xe: {  	s8 =	sadd.s32 $0x860, s12;
	s15 =	sadd.s32 s28, s1;
	s31 =	sadd.s32 $0xFFFFFFFE, s6  }
0xf: {  	s7 =	sshrl.u32 s7, $0x3;
	s8 =	smov.u32 @p0 s9;
	[dreg:$0x5] =	wrdreg s31  }
0x10: {  	s14 =	smax.u32 s14, $0x1;
	s15 =	sshrl.u32 s15, $0x3;
	s30 =	sshll.u32 s8, $0x4  }
0x11: {  	s0 =	sadd.s32 s7, s0;
	s7 =	sor.u32 $0x1C05, s29;
	s8 =	sadd.s32 s10, s30  }
0x12: {  	s9 =	sadd.s32 s11, s30;
	s12 =	sor.u32 $0x10, s30;
	s13 =	sadd.s32 $0x7D200, s0  }
0x13: {  	s10 =	sadd.s32 s10, s12;
	s11 =	sadd.s32 s11, s12;
	s12 =	sadd.s32 $0xFFFFFFFF, s6  }
.LBB2_1:
0x14: {  	[spmem:s15], [sflag:s7] =	dma.local [hbm:s5], $0x2800  }
0x15: {  	_ =	swait.ge [sflag:s16], $0x2800  }
0x16: {  	[sflag:s16] =	ssyncset.done $0x0  }
0x17: {  	[sflag:s16] =	ssyncadd.s32 $0xFFFFD800  }
0x18: {  	[tilespmem:s3], [sflag:$0x1] =	stream.linear.gather [hbm4b:s8+s3], $0x80, $0x38;
	[tilespmem:$0x1C200] =	vst v63  }
0x19: {  	s0 =	simm.s32 $0x100  }
0x1a: {  	[tilespmem:s0], [sflag:$0x1] =	stream.linear.gather [hbm4b:s9+s3], $0x80, $0x38;
	[tilespmem:$0x1C200] =	vst v63  }
0x1b: {  	_ = 	snop  }
0x1c: {  	[tilespmem:s18], [sflag:$0x2] =	stream.linear.gather [hbm4b:s10+s3], $0x80, $0x38;
	[tilespmem:$0x1C200] =	vst v63  }
0x1d: {  	s26 =	simm.s32 $0x180  }
0x1e: {  	[tilespmem:s26], [sflag:$0x2] =	stream.linear.gather [hbm4b:s11+s3], $0x80, $0x38;
	[tilespmem:$0x1C200] =	vst v63  }
0x1f: {  	[bflag:$0x0] =	sbarrier.arrive $0xFFFF  }
0x20: {  	_ =	swait.ge [sflag:s20], $0x80  }
0x21: {  	[sflag:s20] =	ssyncset.done $0x0  }
0x22: {  	p1 =	sle.u32 s6, $0x0;
	[sflag:s20] =	ssyncadd.s32 $0xFFFFFF80  }
0x23: {  	p0 =	sle.u32 @!p1 s12, $0x0;
	_ =	swait.ge [sflag:s20], $0x80  }
0x24: {  	p0 =	por p0, p1;
	[sflag:s20] =	ssyncset.done $0x0  }
0x25: {  	s0 =	simm.s32 @!p0 $0x2;
	[sflag:s20] =	ssyncadd.s32 $0xFFFFFF80  }
0x26: {  	[tilespmem:s21], [sflag:$0x3] =	stream.indirect.gather [hbm4b:s4+s18], $0x80, s3, s18, $0xb8;
	[tilespmem:$0x1C200] =	vst v63  }
0x27: {  	_ =	swait.ge @!p0 [sflag:s0], $0x80  }
0x28: {  	[sflag:s0] =	ssyncset.done @!p0 $0x0  }
0x29: {  	[sflag:s0] =	ssyncadd.s32 @!p0 $0xFFFFFF80  }
0x2a: {  	_ =	swait.ge @!p0 [sflag:s0], $0x80  }
0x2b: {  	s23 =	simm.s32 @!p1 $0x3;
	[sflag:s0] =	ssyncset.done @!p0 $0x0  }
0x2c: {  	s24 =	simm.s32 @!p0 $0x4200;
	[sflag:s0] =	ssyncadd.s32 @!p0 $0xFFFFFF80;
	s0 =	simm.s32 @!p0 $0x80  }
0x2d: {  	[tilespmem:s24], [sflag:$0x4] =	stream.indirect.gather @!p0 [hbm4b:s4+s0], $0x80, s0, s0, $0xb8;
	[tilespmem:$0x1C200] =	vst v63  }
0x2e: {  	s25 =	simm.s32 @!p1 $0x100;
	p0 =	sle.u32 @!p1 s6, $0x2;
	_ =	swait.ge @!p1 [sflag:s23], $0x4000  }
0x2f: {  	s0 =	simm.s32 @!p1 $0x200;
	s24 =	simm.s32 @!p1 $0x5;
	[sflag:s23] =	ssyncset.done @!p1 $0x0  }
0x30: {  	p3 =	por p0, p1;
	[sflag:s23] =	ssyncadd.s32 @!p1 $0xFFFFC000;
	s23 =	simm.s32 @!p1 $0x80  }
0x31: {  	[spmem:s1] =	stream.indirect.scatter.add.f32 @!p1 [tilespmem:s0], [sflag:$0x5], $0x80, s25, s23, $0xb8;
	[tilespmem:$0x1C200] =	vst v63  }
0x32: {  	p0 =	sle.u32 s12, $0x0;
	s0 =	sadd.s32 @!p3 $0x0, s8;
	_ =	swait.ge @!p1 [sflag:s24], $0x4000  }
0x33: {  	s0 =	sadd.s32 @!p3 $0x20, s0;
	[sflag:s24] =	ssyncset.done @!p1 $0x0;
	s23 =	rddreg [dreg:$0x5]  }
0x34: {  	[sflag:s24] =	ssyncadd.s32 @!p1 $0xFFFFC000;
	s24 =	simm.s32 @!p3 $0x0;
	p1 =	sle.u32 @!p0 s23, $0x0  }
0x35: {  	[tilespmem:s24], [sflag:$0x1] =	stream.linear.gather @!p3 [hbm4b:s0+s24], $0x80, $0x38;
	[tilespmem:$0x1C200] =	vst v63  }
0x36: {  	s0 =	sadd.s32 @!p3 $0x0, s9;
	p2 =	por p1, p0  }
0x37: {  	s23 =	simm.s32 @!p3 $0x100;
	s0 =	sadd.s32 @!p3 $0x20, s0;
	s26 =	simm.s32 @!p2 $0x1  }
0x38: {  	[tilespmem:s23], [sflag:$0x1] =	stream.linear.gather @!p3 [hbm4b:s0+s24], $0x80, $0x38;
	[tilespmem:$0x1C200] =	vst v63  }
0x39: {  	s30 =	simm.s32 @!p0 $0x4;
	s29 =	simm.s32 @!p0 $0x5;
	_ =	swait.ge @!p2 [sflag:s26], $0x80  }
0x3a: {  	s25 =	simm.s32 $0x40;
	p1 =	sle.u32 @!p0 s6, $0x3;
	[sflag:s26] =	ssyncset.done @!p2 $0x0  }
0x3b: {  	p1 =	por p1, p0;
	s23 =	simm.s32 $0x20;
	[sflag:s26] =	ssyncadd.s32 @!p2 $0xFFFFFF80  }
0x3c: {  	s0 =	sadd.s32 @!p1 $0x0, s9;
	s24 =	simm.s32 @!p2 $0x80;
	_ =	swait.ge @!p2 [sflag:s26], $0x80  }
0x3d: {  	s31 =	sadd.s32 @!p1 $0x0, s8;
	s28 =	sadd.s32 @!p1 $0x30, s0;
	[sflag:s26] =	ssyncset.done @!p2 $0x0  }
0x3e: {  	s0 =	simm.s32 @!p2 $0x200;
	[sflag:s26] =	ssyncadd.s32 @!p2 $0xFFFFFF80;
	s26 =	simm.s32 @!p2 $0x0  }
0x3f: {  	[tilespmem:s0], [sflag:$0x3] =	stream.indirect.gather @!p2 [hbm4b:s4+s24], $0x80, s26, s24, $0xb8;
	[tilespmem:$0x1C200] =	vst v63  }
0x40: {  	s24 =	simm.s32 $0x2;
	s0 =	simm.s32 @!p0 $0x80;
	_ =	swait.ge @!p0 [sflag:s30], $0x4000  }
.LBB2_2:
0x41: {  	[sflag:s30] =	ssyncset.done @!p0 $0x0  }
0x42: {  	s19 =	simm.s32 @!p0 $0x4200;
	[sflag:s30] =	ssyncadd.s32 @!p0 $0xFFFFC000;
	s30 =	simm.s32 @!p0 $0x180  }
0x43: {  	[spmem:s1] =	stream.indirect.scatter.add.f32 @!p0 [tilespmem:s19], [sflag:$0x5], $0x80, s30, s0, $0xb8;
	[tilespmem:$0x1C200] =	vst v63  }
0x44: {  	s2 =	simm.s32 @!p1 $0x0;
	p3 =	sge.u32 s24, s6;
	_ =	swait.ge @!p0 [sflag:s29], $0x4000  }
0x45: {  	s17 =	simm.s32 @!p1 $0x80;
	p2 =	sge.u32 @!p3 s24, s12;
	[sflag:s29] =	ssyncset.done @!p0 $0x0  }
0x46: {  	s0 =	sadd.s32 @!p1 $0x30, s31;
	p5 =	por p2, p3;
	[sflag:s29] =	ssyncadd.s32 @!p0 $0xFFFFC000  }
0x47: {  	[tilespmem:s17], [sflag:$0x2] =	stream.linear.gather @!p1 [hbm4b:s0+s2], $0x80, $0x38;
	[tilespmem:$0x1C200] =	vst v63  }
0x48: {  	s0 =	simm.s32 @!p5 $0x2;
	s17 =	simm.s32 @!p1 $0x180  }
0x49: {  	[tilespmem:s17], [sflag:$0x2] =	stream.linear.gather @!p1 [hbm4b:s28+s2], $0x80, $0x38;
	[tilespmem:$0x1C200] =	vst v63  }
0x4a: {  	_ =	swait.ge @!p5 [sflag:s0], $0x80  }
0x4b: {  	[sflag:s0] =	ssyncset.done @!p5 $0x0  }
0x4c: {  	[sflag:s0] =	ssyncadd.s32 @!p5 $0xFFFFFF80  }
0x4d: {  	s26 =	smov.u32 s23;
	_ =	swait.ge @!p5 [sflag:s0], $0x80  }
0x4e: {  	s19 =	sadd.s32 @!p3 $0x2, s24;
	s2 =	simm.s32 @!p3 $0x3;
	[sflag:s0] =	ssyncset.done @!p5 $0x0  }
0x4f: {  	s17 =	simm.s32 @!p5 $0x4200;
	[sflag:s0] =	ssyncadd.s32 @!p5 $0xFFFFFF80;
	s0 =	simm.s32 @!p5 $0x80  }
0x50: {  	[tilespmem:s17], [sflag:$0x4] =	stream.indirect.gather @!p5 [hbm4b:s4+s0], $0x80, s0, s0, $0xb8;
	[tilespmem:$0x1C200] =	vst v63  }
0x51: {  	s23 =	smov.u32 s25;
	p4 =	sge.u32 @!p3 s19, s6;
	_ =	swait.ge @!p3 [sflag:s2], $0x4000  }
0x52: {  	s19 =	simm.s32 @!p3 $0x100;
	s0 =	simm.s32 @!p3 $0x200;
	[sflag:s2] =	ssyncset.done @!p3 $0x0  }
0x53: {  	s17 =	simm.s32 @!p3 $0x5;
	[sflag:s2] =	ssyncadd.s32 @!p3 $0xFFFFC000;
	s2 =	simm.s32 @!p3 $0x80  }
0x54: {  	[spmem:s1] =	stream.indirect.scatter.add.f32 @!p3 [tilespmem:s0], [sflag:$0x5], $0x80, s19, s2, $0xb8;
	[tilespmem:$0x1C200] =	vst v63  }
0x55: {  	s25 =	sadd.s32 $0x20, s25;
	p4 =	por p4, p3;
	_ =	swait.ge @!p3 [sflag:s17], $0x4000  }
0x56: {  	p0 =	sge.u32 s24, s12;
	s0 =	sadd.s32 @!p4 s26, s8;
	[sflag:s17] =	ssyncset.done @!p3 $0x0  }
0x57: {  	s0 =	sadd.s32 @!p4 $0x20, s0;
	s2 =	rddreg [dreg:$0x5];
	[sflag:s17] =	ssyncadd.s32 @!p3 $0xFFFFC000  }
0x58: {  	s17 =	simm.s32 @!p4 $0x0;
	p1 =	sge.u32 @!p0 s24, s2;
	s2 =	sadd.s32 @!p0 $0x3, s24  }
0x59: {  	[tilespmem:s17], [sflag:$0x1] =	stream.linear.gather @!p4 [hbm4b:s0+s17], $0x80, $0x38;
	[tilespmem:$0x1C200] =	vst v63  }
0x5a: {  	s0 =	sadd.s32 @!p4 s26, s9;
	p3 =	por p1, p0;
	p1 =	sge.u32 @!p0 s2, s6  }
0x5b: {  	s2 =	simm.s32 @!p4 $0x100;
	s0 =	sadd.s32 @!p4 $0x20, s0;
	s19 =	simm.s32 @!p3 $0x1  }
0x5c: {  	[tilespmem:s2], [sflag:$0x1] =	stream.linear.gather @!p4 [hbm4b:s0+s17], $0x80, $0x38;
	[tilespmem:$0x1C200] =	vst v63  }
0x5d: {  	p2 =	sne.s32 s25, $0x860;
	_ =	swait.ge @!p3 [sflag:s19], $0x80  }
0x5e: {  	s30 =	simm.s32 @!p0 $0x4;
	s29 =	simm.s32 @!p0 $0x5;
	[sflag:s19] =	ssyncset.done @!p3 $0x0  }
0x5f: {  	s24 =	sadd.s32 $0x2, s24;
	p1 =	por p1, p0;
	[sflag:s19] =	ssyncadd.s32 @!p3 $0xFFFFFF80  }
.Ltmp0:
0x60: {  	s0 =	sadd.s32 @!p1 s26, s9;
	_ =	swait.ge @!p3 [sflag:s19], $0x80;
	(pc) =	sbr.rel @p2 .LBB2_2-.Ltmp0, $4  }
0x61: {  	s2 =	simm.s32 @!p3 $0x80;
	s17 =	simm.s32 @!p3 $0x0;
	[sflag:s19] =	ssyncset.done @!p3 $0x0  }
0x62: {  	s28 =	sadd.s32 @!p1 $0x30, s0;
	s0 =	simm.s32 @!p3 $0x200;
	[sflag:s19] =	ssyncadd.s32 @!p3 $0xFFFFFF80  }
0x63: {  	[tilespmem:s0], [sflag:$0x3] =	stream.indirect.gather @!p3 [hbm4b:s4+s2], $0x80, s17, s2, $0xb8;
	[tilespmem:$0x1C200] =	vst v63  }
0x64: {  	s31 =	sadd.s32 @!p1 s26, s8;
	s0 =	simm.s32 @!p0 $0x80;
	_ =	swait.ge @!p0 [sflag:s30], $0x4000  }
0x65: {  	[sflag:s30] =	ssyncset.done @!p0 $0x0;
	s2 =	simm.s32 @!p0 $0x180  }
0x66: {  	s17 =	simm.s32 @!p0 $0x4200;
	p2 =	sge.u32 s24, s6;
	[sflag:s30] =	ssyncadd.s32 @!p0 $0xFFFFC000  }
0x67: {  	[spmem:s1] =	stream.indirect.scatter.add.f32 @!p0 [tilespmem:s17], [sflag:$0x5], $0x80, s2, s0, $0xb8;
	[tilespmem:$0x1C200] =	vst v63  }
0x68: {  	p3 =	sge.u32 @!p2 s24, s12;
	_ =	swait.ge @!p0 [sflag:s29], $0x4000  }
0x69: {  	s0 =	simm.s32 @!p1 $0x0;
	s2 =	simm.s32 @!p1 $0x80;
	[sflag:s29] =	ssyncset.done @!p0 $0x0  }
0x6a: {  	s17 =	sadd.s32 @!p1 $0x30, s31;
	p3 =	por p3, p2;
	[sflag:s29] =	ssyncadd.s32 @!p0 $0xFFFFC000  }
0x6b: {  	[tilespmem:s2], [sflag:$0x2] =	stream.linear.gather @!p1 [hbm4b:s17+s0], $0x80, $0x38;
	[tilespmem:$0x1C200] =	vst v63  }
0x6c: {  	s2 =	simm.s32 @!p3 $0x2;
	s17 =	simm.s32 @!p1 $0x180  }
0x6d: {  	[tilespmem:s17], [sflag:$0x2] =	stream.linear.gather @!p1 [hbm4b:s28+s0], $0x80, $0x38;
	[tilespmem:$0x1C200] =	vst v63  }
0x6e: {  	_ =	swait.ge @!p3 [sflag:s2], $0x80  }
0x6f: {  	[sflag:s2] =	ssyncset.done @!p3 $0x0  }
0x70: {  	[sflag:s2] =	ssyncadd.s32 @!p3 $0xFFFFFF80  }
0x71: {  	_ =	swait.ge @!p3 [sflag:s2], $0x80  }
0x72: {  	s19 =	simm.s32 @!p3 $0x4200;
	s0 =	sadd.s32 @!p2 $0x2, s24;
	[sflag:s2] =	ssyncset.done @!p3 $0x0  }
0x73: {  	s17 =	simm.s32 @!p2 $0x3;
	[sflag:s2] =	ssyncadd.s32 @!p3 $0xFFFFFF80;
	s2 =	simm.s32 @!p3 $0x80  }
0x74: {  	[tilespmem:s19], [sflag:$0x4] =	stream.indirect.gather @!p3 [hbm4b:s4+s2], $0x80, s2, s2, $0xb8;
	[tilespmem:$0x1C200] =	vst v63  }
0x75: {  	p0 =	sge.u32 @!p2 s0, s6;
	s0 =	simm.s32 @!p2 $0x200;
	_ =	swait.ge @!p2 [sflag:s17], $0x4000  }
0x76: {  	s2 =	simm.s32 @!p2 $0x5;
	s19 =	simm.s32 @!p2 $0x100;
	[sflag:s17] =	ssyncset.done @!p2 $0x0  }
0x77: {  	p3 =	por p0, p2;
	[sflag:s17] =	ssyncadd.s32 @!p2 $0xFFFFC000;
	s17 =	simm.s32 @!p2 $0x80  }
0x78: {  	[spmem:s1] =	stream.indirect.scatter.add.f32 @!p2 [tilespmem:s0], [sflag:$0x5], $0x80, s19, s17, $0xb8;
	[tilespmem:$0x1C200] =	vst v63  }
0x79: {  	p0 =	sge.u32 s24, s12;
	s0 =	sadd.s32 @!p3 s23, s8;
	_ =	swait.ge @!p2 [sflag:s2], $0x4000  }
0x7a: {  	s0 =	sadd.s32 @!p3 $0x20, s0;
	[sflag:s2] =	ssyncset.done @!p2 $0x0;
	s17 =	rddreg [dreg:$0x5]  }
0x7b: {  	[sflag:s2] =	ssyncadd.s32 @!p2 $0xFFFFC000;
	s2 =	simm.s32 @!p3 $0x0;
	p1 =	sge.u32 @!p0 s24, s17  }
0x7c: {  	[tilespmem:s2], [sflag:$0x1] =	stream.linear.gather @!p3 [hbm4b:s0+s2], $0x80, $0x38;
	[tilespmem:$0x1C200] =	vst v63  }
0x7d: {  	s0 =	sadd.s32 @!p3 s23, s9;
	p1 =	por p1, p0  }
0x7e: {  	s17 =	simm.s32 @!p3 $0x100;
	s0 =	sadd.s32 @!p3 $0x20, s0;
	s19 =	simm.s32 @!p1 $0x1  }
0x7f: {  	[tilespmem:s17], [sflag:$0x1] =	stream.linear.gather @!p3 [hbm4b:s0+s2], $0x80, $0x38;
	[tilespmem:$0x1C200] =	vst v63  }
0x80: {  	_ =	swait.ge @!p1 [sflag:s19], $0x80  }
0x81: {  	[sflag:s19] =	ssyncset.done @!p1 $0x0  }
0x82: {  	[sflag:s19] =	ssyncadd.s32 @!p1 $0xFFFFFF80  }
0x83: {  	s0 =	sadd.s32 @!p0 $0x3, s24;
	s2 =	simm.s32 @!p1 $0x200;
	_ =	swait.ge @!p1 [sflag:s19], $0x80  }
0x84: {  	s17 =	simm.s32 @!p1 $0x80;
	p2 =	sge.u32 @!p0 s0, s6;
	[sflag:s19] =	ssyncset.done @!p1 $0x0  }
0x85: {  	s0 =	simm.s32 @!p0 $0x4;
	[sflag:s19] =	ssyncadd.s32 @!p1 $0xFFFFFF80;
	s19 =	simm.s32 @!p1 $0x0  }
0x86: {  	[tilespmem:s2], [sflag:$0x3] =	stream.indirect.gather @!p1 [hbm4b:s4+s17], $0x80, s19, s17, $0xb8;
	[tilespmem:$0x1C200] =	vst v63  }
0x87: {  	p1 =	por p2, p0;
	_ =	swait.ge @!p0 [sflag:s0], $0x4000  }
0x88: {  	s2 =	simm.s32 @!p0 $0x5;
	s17 =	simm.s32 @!p0 $0x80;
	[sflag:s0] =	ssyncset.done @!p0 $0x0  }
0x89: {  	s19 =	simm.s32 @!p0 $0x4200;
	[sflag:s0] =	ssyncadd.s32 @!p0 $0xFFFFC000;
	s0 =	simm.s32 @!p0 $0x180  }
0x8a: {  	[spmem:s1] =	stream.indirect.scatter.add.f32 @!p0 [tilespmem:s19], [sflag:$0x5], $0x80, s0, s17, $0xb8;
	[tilespmem:$0x1C200] =	vst v63  }
0x8b: {  	s22 =	sadd.s32 $0x1, s22;
	s0 =	sadd.s32 @!p1 s23, s9;
	_ =	swait.ge @!p0 [sflag:s2], $0x4000  }
0x8c: {  	s17 =	sadd.s32 @!p1 s23, s8;
	s19 =	simm.s32 @!p1 $0x0;
	[sflag:s2] =	ssyncset.done @!p0 $0x0  }
0x8d: {  	s23 =	simm.s32 @!p1 $0x80;
	s17 =	sadd.s32 @!p1 $0x30, s17;
	[sflag:s2] =	ssyncadd.s32 @!p0 $0xFFFFC000  }
0x8e: {  	[tilespmem:s23], [sflag:$0x2] =	stream.linear.gather @!p1 [hbm4b:s17+s19], $0x80, $0x38;
	[tilespmem:$0x1C200] =	vst v63  }
0x8f: {  	s0 =	sadd.s32 @!p1 $0x30, s0;
	s2 =	simm.s32 @!p1 $0x180;
	p0 =	sne.s32 s22, s14  }
0x90: {  	[tilespmem:s2], [sflag:$0x2] =	stream.linear.gather @!p1 [hbm4b:s0+s19], $0x80, $0x38;
	[tilespmem:$0x1C200] =	vst v63  }
.Ltmp1:
0x91: {  	[bflag:$0x0] =	sbarrier.arrive $0xFFFF;
	(pc) =	sbr.rel @p0 .LBB2_1-.Ltmp1, $4  }
0x92: {  	[hbm:s13], [sflag:s7] =	dma.local [spmem:s15], $0x2800  }
0x93: {  	_ =	swait.ge [sflag:s16], $0x2800  }
0x94: {  	[sflag:s16] =	ssyncset.done $0x0  }
0x95: {  	[sflag:s16] =	ssyncadd.s32 $0xFFFFD800  }
0x96: {  	_ =	sfence.sel $0x180000  }
0x97: {  	[bflag:$0x0] =	sbarrier.arrive $0xFFFF  }
0x98: {  	_ =	strace $0x9000004A  }
0x99: {  	s0 =	stileid.u32;
	[bflag:$0x2] =	sbarrier.arrive $0xFFFF  }
0x9a: {  	p0 =	sne.s32 s0, $0x0;
	s0 =	rddreg [dreg:$0x4]  }
0x9b: {  	s0 =	sadd.s32 @!p0 $0x100000, s0  }
0x9c: {  	[sflag:s0] =	ssyncadd.tile.s32 @!p0 $0x1;
	_ =	shalt  }
.Lfunc_end2:
_tile_overlayer_lowered:
.L_overlay_start_2:
0x9d: {  	(tag) =	ssettag $0x2  }
0x9e: {  	s0 =	rddreg [dreg:$0x0];
	s2 =	stileid.u32  }
0x9f: {  	s1 =	rddreg [dreg:$0x1];
	p0 =	sne.s32 s2, $0x0  }
0xa0: {  	s3 =	rddreg [dreg:$0x2];
	[bflag:$0x3] =	sbarrier.arrive $0xFFFF;
	s2 =	simm.s32 @!p0 $0x1C05  }
0xa1: {  	[timem:s3], [sflag:s2] =	dma.local @!p0 [hbm:s0], s1  }
0xa2: {  	s0 =	simm.s32 @!p0 $0x5  }
0xa3: {  	_ =	swait.ge @!p0 [sflag:s0], s1  }
0xa4: {  	s1 =	ssub.s32 @!p0 $0x0, s1;
	[sflag:s0] =	ssyncset.done @!p0 $0x0  }
0xa5: {  	[sflag:s0] =	ssyncadd.s32 @!p0 s1  }
0xa6: {  	[bflag:$0x3] =	sbarrier.arrive $0xFFFF  }
0xa7: {  	_ =	shalt  }

// kernel: kernel.14.cloned.1.call-start
scs
__scs_entry_jumppad:
0x0: {  	(pc) =	sbr.rel $0x88, $3  }
0x1: {  	(tag) =	ssettag $0x0;
	lr =	simm.s32 $0x1  }
0x2: {  	[smem:$0x3F9B] =	sst lr;
	_ =	strace $0xD0000000  }
0x3: {  	_ = 	snop  }
0x4: {  	_ = 	snop  }
0x5: {  	_ = 	snop  }
0x6: {  	_ = 	snop  }
0x7: {  	_ = 	snop  }
__scs_overlays_trampoline_lowered:
0x8: {  	[smem:$0x3FAA] =	sst s0  }
0x9: {  	[smem:$0x3FAB] =	sst s1  }
0xa: {  	[smem:$0x3FAC] =	sst s2  }
0xb: {  	[smem:$0x3FAD] =	sst s3  }
0xc: {  	[smem:$0x3FAE] =	sst s4  }
0xd: {  	[smem:$0x3FAF] =	sst s5  }
0xe: {  	[smem:$0x3FB0] =	sst s6  }
0xf: {  	[smem:$0x3FB1] =	sst s7  }
0x10: {  	[smem:$0x3FB2] =	sst s8  }
0x11: {  	[smem:$0x3FB3] =	sst s9;
	s0 =	simm.s32 @!p0 $0x0  }
0x12: {  	s1 =	sld [smem:$0x3F99];
	s0 =	simm.s32 @p0 $0x1  }
0x13: {  	[smem:$0x3FB4] =	sst s0;
	s0 =	simm.s32 @!p1 $0x0  }
0x14: {  	s2 =	sld [smem:$0x3F98];
	s0 =	simm.s32 @p1 $0x1  }
0x15: {  	[smem:$0x3FB5] =	sst s0;
	s0 =	simm.s32 @!p2 $0x0  }
0x16: {  	s3 =	sld [smem:$0x3FDB];
	s0 =	simm.s32 @p2 $0x1  }
0x17: {  	s4 =	simm.s32 $0x1BF5;
	[smem:$0x3FB7] =	sst s0  }
0x18: {  	s0 =	sld [smem:$0x3F9A];
	_ =	swait.ge [sflag:s4], $0x0  }
0x19: {  	s7 =	sld [smem:$0x3F9B]  }
0x1a: {  	s8 =	sadd.s32 $0xFFFFE003, lr  }
0x1b: {  	s9 =	sadd.s32 $0xFFFFFEF7, lr;
	s5 =	simm.s32 $0xFFFFFFFF;
	p2 =	slt.u32 s8, $0xFFFFF086  }
0x1c: {  	p1 =	slt.u32 s9, $0xF7A;
	s5 =	simm.s32 @!p2 $0x0  }
0x1d: {  	s5 =	simm.s32 @p1 $0x1;
	p0 =	seq.s32 s7, s2  }
0x1e: {  	s7 =	smul.u32 @!p0 $0xF7A, s2;
	p2 =	seq.s32 @!p0 s5, $0x0  }
0x1f: {  	s9 =	smul.u32 $0xF7A, s1;
	s8 =	simm.s32 @!p0 $0x1BF5;
	p2 =	por !p2, p0  }
0x20: {  	[sflag:s8] =	ssyncset.s32 @!p0 $0xFFFFF086;
	s6 =	sadd.s32 @!p0 s3, s7;
	s7 =	simm.s32 @!p0 $0x108  }
0x21: {  	s3 =	sadd.s32 s3, s9;
	s6 =	sadd.s32 @!p0 $0x88, s6;
	s7 =	simm.s32 @p2 $0x1082  }
0x22: {  	[simem:s7], [sflag:s8] =	dma.local @!p0 [hbm:s6], $0xF7A  }
0x23: {  	s9 =	sor.u32 $0xD0000000, s2;
	s6 =	simm.s32 $0x108;
	_ =	swait.ge @!p0 [sflag:s8], $0x0  }
0x24: {  	s3 =	sadd.s32 $0x88, s3;
	s6 =	simm.s32 @!p1 $0x1082;
	[sflag:s4] =	ssyncset.s32 $0xFFFFF086  }
0x25: {  	[simem:s6], [sflag:s4] =	dma.local [hbm:s3], $0xF7A  }
0x26: {  	[smem:$0x3F9B] =	sst s1;
	(tag) =	ssettag s2;
	_ =	strace s9  }
0x27: {  	s1 =	sld [smem:$0x3FAB]  }
0x28: {  	s2 =	sld [smem:$0x3FAC]  }
0x29: {  	s4 =	sld [smem:$0x3FAE]  }
0x2a: {  	p0 =	seq.s32 s5, $0x0;
	s5 =	sld [smem:$0x3FAF]  }
0x2b: {  	s6 =	sld [smem:$0x3FB0]  }
0x2c: {  	s7 =	sld [smem:$0x3FB1]  }
0x2d: {  	s3 =	simm.s32 $0x108;
	s8 =	sld [smem:$0x3FB2]  }
0x2e: {  	s3 =	simm.s32 @!p0 $0x1082;
	s9 =	sld [smem:$0x3FB3]  }
0x2f: {  	lr =	sadd.s32 s0, s3;
	s0 =	sld [smem:$0x3FAA]  }
0x30: {  	s3 =	sld [smem:$0x3FAD]  }
0x31: {  	[smem:$0x3FB6] =	sst s10  }
0x32: {  	s10 =	sld [smem:$0x3FB4];
	_ =	sdelay $0x3  }
0x33: {  	p0 =	seq.s32 s10, $0x1;
	s10 =	sld [smem:$0x3FB6];
	_ =	sdelay $0x3  }
0x34: {  	[smem:$0x3FB6] =	sst s10  }
0x35: {  	s10 =	sld [smem:$0x3FB5];
	_ =	sdelay $0x3  }
0x36: {  	p1 =	seq.s32 s10, $0x1;
	s10 =	sld [smem:$0x3FB6];
	_ =	sdelay $0x3  }
0x37: {  	[smem:$0x3FB6] =	sst s10  }
0x38: {  	s10 =	sld [smem:$0x3FB7]  }
0x39: {  	_ = 	snop;
	(pc) =	sbr.ind lr, $3  }
0x3a: {  	_ = 	snop  }
0x3b: {  	_ = 	snop  }
0x3c: {  	p2 =	seq.s32 s10, $0x1;
	s10 =	sld [smem:$0x3FB6]  }
0x3d: {  	_ =	shalt  }
0x3e: {  	_ =	shalt  }
0x3f: {  	_ =	shalt  }
0x40: {  	_ =	shalt  }
0x41: {  	_ =	shalt  }
0x42: {  	_ =	shalt  }
0x43: {  	_ =	shalt  }
0x44: {  	_ =	shalt  }
0x45: {  	_ =	shalt  }
0x46: {  	_ =	shalt  }
0x47: {  	_ =	shalt  }
0x48: {  	_ =	shalt  }
0x49: {  	_ =	shalt  }
0x4a: {  	_ =	shalt  }
0x4b: {  	_ =	shalt  }
0x4c: {  	_ =	shalt  }
0x4d: {  	_ =	shalt  }
0x4e: {  	_ =	shalt  }
0x4f: {  	_ =	shalt  }
0x50: {  	_ =	shalt  }
0x51: {  	_ =	shalt  }
0x52: {  	_ =	shalt  }
0x53: {  	_ =	shalt  }
0x54: {  	_ =	shalt  }
0x55: {  	_ =	shalt  }
0x56: {  	_ =	shalt  }
0x57: {  	_ =	shalt  }
0x58: {  	_ =	shalt  }
0x59: {  	_ =	shalt  }
0x5a: {  	_ =	shalt  }
0x5b: {  	_ =	shalt  }
0x5c: {  	_ =	shalt  }
0x5d: {  	_ =	shalt  }
0x5e: {  	_ =	shalt  }
0x5f: {  	_ =	shalt  }
0x60: {  	_ =	shalt  }
0x61: {  	_ =	shalt  }
0x62: {  	_ =	shalt  }
0x63: {  	_ =	shalt  }
0x64: {  	_ =	shalt  }
0x65: {  	_ =	shalt  }
0x66: {  	_ =	shalt  }
0x67: {  	_ =	shalt  }
0x68: {  	_ =	shalt  }
0x69: {  	_ =	shalt  }
0x6a: {  	_ =	shalt  }
0x6b: {  	_ =	shalt  }
0x6c: {  	_ =	shalt  }
0x6d: {  	_ =	shalt  }
0x6e: {  	_ =	shalt  }
0x6f: {  	_ =	shalt  }
0x70: {  	_ =	shalt  }
0x71: {  	_ =	shalt  }
0x72: {  	_ =	shalt  }
0x73: {  	_ =	shalt  }
0x74: {  	_ =	shalt  }
0x75: {  	_ =	shalt  }
0x76: {  	_ =	shalt  }
0x77: {  	_ =	shalt  }
0x78: {  	_ =	shalt  }
0x79: {  	_ =	shalt  }
0x7a: {  	_ =	shalt  }
0x7b: {  	_ =	shalt  }
0x7c: {  	_ =	shalt  }
0x7d: {  	_ =	shalt  }
0x7e: {  	_ =	shalt  }
0x7f: {  	_ =	shalt  }
0x80: {  	_ =	shalt  }
0x81: {  	_ =	shalt  }
0x82: {  	_ =	shalt  }
0x83: {  	_ =	shalt  }
0x84: {  	_ =	shalt  }
0x85: {  	_ =	shalt  }
0x86: {  	_ =	shalt  }
0x87: {  	_ =	shalt  }
.Lfunc_end0:
.L_simem_size_0:
called_computation.2_lowered:
.L_overlay_start_0:
0x88: {  	s2 =	sld [smem:$0x3FD9]  }
0x89: {  	s3 =	sld [smem:$0x3FFE];
	_ =	sdelay $0x1  }
0x8a: {  	s1 =	srdreg.scid  }
0x8b: {  	s0 =	sand.u32 $0x1, s1  }
0x8c: {  	s14 =	sshll.u32 s0, $0xA;
	s2 =	sadd.s32 s3, s2  }
0x8d: {  	s2 =	sadd.s32 s2, s14  }
0x8e: {  	[smem:$0x3FC2] =	sst s2  }
0x8f: {  	_ = 	snop  }
0x90: {  	s2 =	sld [smem:$0x3FD0];
	_ =	sdelay $0x2  }
0x91: {  	s15 =	simm.s32 $0xA;
	s4 =	simm.s32 $0x10  }
0x92: {  	[smem:s4], [sflag:s15] =	dma.local [hbm:s2], $0x1  }
0x93: {  	_ =	swait.eq [sflag:s15], $0x1  }
0x94: {  	[sflag:s15] =	ssyncset.done $0x0  }
0x95: {  	s16 =	sld [smem:$0x10];
	[sflag:s15] =	ssyncadd.s32 $0xFFFFFFFF  }
0x96: {  	s17 =	sld [smem:$0x11];
	(tm) =	ssettm $0x1  }
0x97: {  	s18 =	sld [smem:$0x3FFB];
	_ =	sdelay $0x3  }
0x98: {  	_ =	strace s18  }
0x99: {  	s4 =	sld [smem:$0x3FFC];
	_ =	sdelay $0x3  }
0x9a: {  	_ =	strace s4  }
0x9b: {  	s4 =	sld [smem:$0x3FFD];
	_ =	sdelay $0x3  }
0x9c: {  	_ =	strace s4  }
0x9d: {  	_ =	strace $0x8FFFFFFF  }
0x9e: {  	s19 =	sld [smem:$0x3FDB];
	_ =	sdelay $0x1  }
0x9f: {  	s5 =	simm.s32 $_scs_section_size  }
0xa0: {  	s6 =	simm.s32 $_size__tile_overlayer_lowered;
	s7 =	simm.s32 $_tile_overlayer_lowered  }
0xa1: {  	s22 =	simm.s32 $0x1BFF;
	s21 =	sshll.u32 s7, $0x1;
	s4 =	sadd.s32 s5, s19  }
0xa2: {  	s8 =	simm.s32 $0x0;
	s20 =	sshll.u32 s6, $0x1;
	s6 =	sadd.s32 s21, s4  }
0xa3: {  	[timem:s8], [sflag:s22] =	dma.local [hbm:s6], s20  }
0xa4: {  	_ =	swait.ge [sflag:s22], s20  }
0xa5: {  	s5 =	ssub.s32 $0x0, s20;
	[sflag:s22] =	ssyncset.done $0x0  }
0xa6: {  	[sflag:s22] =	ssyncadd.s32 s5;
	_ =	sdelay $0x1  }
0xa7: {  	s23 =	simm.s32 $0x1B8B  }
0xa8: {  	_ =	swait.ge [sflag:s23], $0x1  }
0xa9: {  	[sflag:s23] =	ssyncset.done $0x0  }
0xaa: {  	s25 =	simm.s32 $0x1B8E;
	s24 =	sld [smem:$0x3FFE];
	[sflag:s23] =	ssyncadd.s32 $0xFFFFFFFF  }
0xab: {  	s26 =	simm.s32 $execute0_lowered;
	[smem:$0x3FD2] =	sst s25  }
0xac: {  	s6 =	sshll.u32 s26, $0x1;
	_ =	strace $0x8000004C;
	[dreg:$0x1] =	wrdreg $0xFFFFFFFF  }
0xad: {  	s28 =	simm.s32 $_size_execute0_lowered;
	s4 =	sadd.s32 s4, s6;
	[dreg:$0x0] =	wrdreg $0x0  }
0xae: {  	s6 =	sshll.u32 s28, $0x1;
	[dreg:$0x2] =	wrdreg s4  }
0xaf: {  	[dreg:$0x3] =	wrdreg s6  }
0xb0: {  	[dreg:$0x4] =	wrdreg $0xC0  }
0xb1: {  	_ =	task [dreg:s8], $0x5FFFF  }
0xb2: {  	[dreg:$0x1] =	wrdreg $0xFFFFFFFF  }
0xb3: {  	[dreg:$0x0] =	wrdreg $0x60  }
0xb4: {  	[dreg:$0x2] =	wrdreg s24  }
0xb5: {  	[dreg:$0x3] =	wrdreg s17  }
0xb6: {  	[dreg:$0x4] =	wrdreg s16  }
0xb7: {  	[dreg:$0x5] =	wrdreg $0x82000  }
0xb8: {  	[dreg:$0x6] =	wrdreg $0x9  }
0xb9: {  	_ =	task.clear_ibuf [dreg:s8], $0x7FFFF;
	_ =	strace $0x9000004C  }
0xba: {  	s29 =	simm.s32 $0x9;
	_ =	strace $0x8000004E  }
0xbb: {  	_ =	swait.ge [sflag:s29], $0x1  }
0xbc: {  	[sflag:s29] =	ssyncadd.s32 $0xFFFFFFFF  }
0xbd: {  	_ =	strace $0x9000004E  }
0xbe: {  	_ =	sfence  }
0xbf: {  	s30 =	sld [smem:$0x0];
	_ =	sdelay $0x2  }
0xc0: {  	s31 =	sshll.u32 s1, $0xD;
	s1 =	sshrl.u32 s1, $0x2  }
0xc1: {  	s3 =	sand.u32 $0x4000, s31;
	s1 =	sadd.s32 s1, s30  }
0xc2: {  	s0 =	sor.u32 s3, s0;
	s1 =	sshll.u32 s1, $0x11  }
0xc3: {  	s0 =	sor.u32 s1, s0  }
0xc4: {  	s0 =	sadd.s32 $0x8F2B, s0  }
0xc5: {  	[sflag:s0] =	ssyncadd.remote.s32 $0x1  }
0xc6: {  	_ =	sfence.sel $0xFFFF  }
0xc7: {  	[dreg:$0x0] =	wrdreg $0xFFFFFFFF;
	(pc) =	sbr.abs _section_cstart, $3  }
0xc8: {  	[dreg:$0x1] =	wrdreg $0xFFFFFFFF  }
0xc9: {  	_ =	task.clear_ibuf [dreg:s8], $0x2FFFF;
	_ =	strace $0x9FFFFFFF  }
0xca: {  	(tm) =	ssettm $0x7FFFFFFF  }
0xcb: {  	_ =	shalt  }
tec
execute0_lowered:
.L_overlay_start_1:
0x0: {  	(tag) =	ssettag $0x1  }
0x1: {  	s0 =	rddreg [dreg:$0x0]  }
0x2: {  	s10 =	rddreg [dreg:$0x1]  }
0x3: {  	s11 =	rddreg [dreg:$0x2]  }
0x4: {  	s1 =	rddreg [dreg:$0x3]  }
0x5: {  	s2 =	srdreg.scid;
	s3 =	simm.s32 $0x0;
	s24 =	stileid.u32  }
0x6: {  	s16 =	simm.s32 $0x5;
	s18 =	simm.s32 $0x80;
	s8 =	smul.u32 $0x14000, s24  }
0x7: {  	s20 =	simm.s32 $0x1;
	s21 =	simm.s32 $0x200;
	s9 =	smul.u32 $0x86, s24  }
0x8: {  	s22 =	simm.s32 $0x0;
	s6 =	sand.u32 $0x1, s2;
	s12 =	smul.u32 $0x18, s24  }
0x9: {  	[smem:$0x7FF] =	sst s3;
	s4 =	sadd.s32 $0x55200, s0;
	s13 =	smul.u32 $0x50000, s24  }
0xa: {  	s5 =	sadd.s32 $0x2200, s0;
	s29 =	sshll.u32 s24, $0x6;
	s7 =	smul.u32 $0x140000, s6  }
0xb: {  	s25 =	ssub.s32 $0x2, s6;
	p0 =	seq.s32 s6, $0x0;
	s6 =	simm.s32 $0x86  }
0xc: {  	_ =	strace $0x8000004D;
	s26 =	sshrl.u32 s25, $0x1;
	s6 =	simm.s32 @!p0 $0x18  }
0xd: {  	s28 =	sshrl.u32 s13, $0x2;
	s7 =	sadd.s32 s8, s7;
	s14 =	ssub.s32 s25, s26  }
0xe: {  	s8 =	sadd.s32 $0x860, s12;
	s15 =	sadd.s32 s28, s1;
	s31 =	sadd.s32 $0xFFFFFFFE, s6  }
0xf: {  	s7 =	sshrl.u32 s7, $0x3;
	s8 =	smov.u32 @p0 s9;
	[dreg:$0x5] =	wrdreg s31  }
0x10: {  	s14 =	smax.u32 s14, $0x1;
	s15 =	sshrl.u32 s15, $0x3;
	s30 =	sshll.u32 s8, $0x4  }
0x11: {  	s0 =	sadd.s32 s7, s0;
	s7 =	sor.u32 $0x1C05, s29;
	s8 =	sadd.s32 s10, s30  }
0x12: {  	s9 =	sadd.s32 s11, s30;
	s12 =	sor.u32 $0x10, s30;
	s13 =	sadd.s32 $0x7D200, s0  }
0x13: {  	s10 =	sadd.s32 s10, s12;
	s11 =	sadd.s32 s11, s12;
	s12 =	sadd.s32 $0xFFFFFFFF, s6  }
.LBB2_1:
0x14: {  	[spmem:s15], [sflag:s7] =	dma.local [hbm:s5], $0x2800  }
0x15: {  	_ =	swait.ge [sflag:s16], $0x2800  }
0x16: {  	[sflag:s16] =	ssyncset.done $0x0  }
0x17: {  	[sflag:s16] =	ssyncadd.s32 $0xFFFFD800  }
0x18: {  	[tilespmem:s3], [sflag:$0x1] =	stream.linear.gather [hbm4b:s8+s3], $0x80, $0x38;
	[tilespmem:$0x1C200] =	vst v63  }
0x19: {  	s0 =	simm.s32 $0x100  }
0x1a: {  	[tilespmem:s0], [sflag:$0x1] =	stream.linear.gather [hbm4b:s9+s3], $0x80, $0x38;
	[tilespmem:$0x1C200] =	vst v63  }
0x1b: {  	_ = 	snop  }
0x1c: {  	[tilespmem:s18], [sflag:$0x2] =	stream.linear.gather [hbm4b:s10+s3], $0x80, $0x38;
	[tilespmem:$0x1C200] =	vst v63  }
0x1d: {  	s26 =	simm.s32 $0x180  }
0x1e: {  	[tilespmem:s26], [sflag:$0x2] =	stream.linear.gather [hbm4b:s11+s3], $0x80, $0x38;
	[tilespmem:$0x1C200] =	vst v63  }
0x1f: {  	[bflag:$0x0] =	sbarrier.arrive $0xFFFF  }
0x20: {  	_ =	swait.ge [sflag:s20], $0x80  }
0x21: {  	[sflag:s20] =	ssyncset.done $0x0  }
0x22: {  	p1 =	sle.u32 s6, $0x0;
	[sflag:s20] =	ssyncadd.s32 $0xFFFFFF80  }
0x23: {  	p0 =	sle.u32 @!p1 s12, $0x0;
	_ =	swait.ge [sflag:s20], $0x80  }
0x24: {  	p0 =	por p0, p1;
	[sflag:s20] =	ssyncset.done $0x0  }
0x25: {  	s0 =	simm.s32 @!p0 $0x2;
	[sflag:s20] =	ssyncadd.s32 $0xFFFFFF80  }
0x26: {  	[tilespmem:s21], [sflag:$0x3] =	stream.indirect.gather [hbm4b:s4+s18], $0x80, s3, s18, $0xb8;
	[tilespmem:$0x1C200] =	vst v63  }
0x27: {  	_ =	swait.ge @!p0 [sflag:s0], $0x80  }
0x28: {  	[sflag:s0] =	ssyncset.done @!p0 $0x0  }
0x29: {  	[sflag:s0] =	ssyncadd.s32 @!p0 $0xFFFFFF80  }
0x2a: {  	_ =	swait.ge @!p0 [sflag:s0], $0x80  }
0x2b: {  	s23 =	simm.s32 @!p1 $0x3;
	[sflag:s0] =	ssyncset.done @!p0 $0x0  }
0x2c: {  	s24 =	simm.s32 @!p0 $0x4200;
	[sflag:s0] =	ssyncadd.s32 @!p0 $0xFFFFFF80;
	s0 =	simm.s32 @!p0 $0x80  }
0x2d: {  	[tilespmem:s24], [sflag:$0x4] =	stream.indirect.gather @!p0 [hbm4b:s4+s0], $0x80, s0, s0, $0xb8;
	[tilespmem:$0x1C200] =	vst v63  }
0x2e: {  	s25 =	simm.s32 @!p1 $0x100;
	p0 =	sle.u32 @!p1 s6, $0x2;
	_ =	swait.ge @!p1 [sflag:s23], $0x4000  }
0x2f: {  	s0 =	simm.s32 @!p1 $0x200;
	s24 =	simm.s32 @!p1 $0x5;
	[sflag:s23] =	ssyncset.done @!p1 $0x0  }
0x30: {  	p3 =	por p0, p1;
	[sflag:s23] =	ssyncadd.s32 @!p1 $0xFFFFC000;
	s23 =	simm.s32 @!p1 $0x80  }
0x31: {  	[spmem:s1] =	stream.indirect.scatter.add.f32 @!p1 [tilespmem:s0], [sflag:$0x5], $0x80, s25, s23, $0xb8;
	[tilespmem:$0x1C200] =	vst v63  }
0x32: {  	p0 =	sle.u32 s12, $0x0;
	s0 =	sadd.s32 @!p3 $0x0, s8;
	_ =	swait.ge @!p1 [sflag:s24], $0x4000  }
0x33: {  	s0 =	sadd.s32 @!p3 $0x20, s0;
	[sflag:s24] =	ssyncset.done @!p1 $0x0;
	s23 =	rddreg [dreg:$0x5]  }
0x34: {  	[sflag:s24] =	ssyncadd.s32 @!p1 $0xFFFFC000;
	s24 =	simm.s32 @!p3 $0x0;
	p1 =	sle.u32 @!p0 s23, $0x0  }
0x35: {  	[tilespmem:s24], [sflag:$0x1] =	stream.linear.gather @!p3 [hbm4b:s0+s24], $0x80, $0x38;
	[tilespmem:$0x1C200] =	vst v63  }
0x36: {  	s0 =	sadd.s32 @!p3 $0x0, s9;
	p2 =	por p1, p0  }
0x37: {  	s23 =	simm.s32 @!p3 $0x100;
	s0 =	sadd.s32 @!p3 $0x20, s0;
	s26 =	simm.s32 @!p2 $0x1  }
0x38: {  	[tilespmem:s23], [sflag:$0x1] =	stream.linear.gather @!p3 [hbm4b:s0+s24], $0x80, $0x38;
	[tilespmem:$0x1C200] =	vst v63  }
0x39: {  	s30 =	simm.s32 @!p0 $0x4;
	s29 =	simm.s32 @!p0 $0x5;
	_ =	swait.ge @!p2 [sflag:s26], $0x80  }
0x3a: {  	s25 =	simm.s32 $0x40;
	p1 =	sle.u32 @!p0 s6, $0x3;
	[sflag:s26] =	ssyncset.done @!p2 $0x0  }
0x3b: {  	p1 =	por p1, p0;
	s23 =	simm.s32 $0x20;
	[sflag:s26] =	ssyncadd.s32 @!p2 $0xFFFFFF80  }
0x3c: {  	s0 =	sadd.s32 @!p1 $0x0, s9;
	s24 =	simm.s32 @!p2 $0x80;
	_ =	swait.ge @!p2 [sflag:s26], $0x80  }
0x3d: {  	s31 =	sadd.s32 @!p1 $0x0, s8;
	s28 =	sadd.s32 @!p1 $0x30, s0;
	[sflag:s26] =	ssyncset.done @!p2 $0x0  }
0x3e: {  	s0 =	simm.s32 @!p2 $0x200;
	[sflag:s26] =	ssyncadd.s32 @!p2 $0xFFFFFF80;
	s26 =	simm.s32 @!p2 $0x0  }
0x3f: {  	[tilespmem:s0], [sflag:$0x3] =	stream.indirect.gather @!p2 [hbm4b:s4+s24], $0x80, s26, s24, $0xb8;
	[tilespmem:$0x1C200] =	vst v63  }
0x40: {  	s24 =	simm.s32 $0x2;
	s0 =	simm.s32 @!p0 $0x80;
	_ =	swait.ge @!p0 [sflag:s30], $0x4000  }
.LBB2_2:
0x41: {  	[sflag:s30] =	ssyncset.done @!p0 $0x0  }
0x42: {  	s19 =	simm.s32 @!p0 $0x4200;
	[sflag:s30] =	ssyncadd.s32 @!p0 $0xFFFFC000;
	s30 =	simm.s32 @!p0 $0x180  }
0x43: {  	[spmem:s1] =	stream.indirect.scatter.add.f32 @!p0 [tilespmem:s19], [sflag:$0x5], $0x80, s30, s0, $0xb8;
	[tilespmem:$0x1C200] =	vst v63  }
0x44: {  	s2 =	simm.s32 @!p1 $0x0;
	p3 =	sge.u32 s24, s6;
	_ =	swait.ge @!p0 [sflag:s29], $0x4000  }
0x45: {  	s17 =	simm.s32 @!p1 $0x80;
	p2 =	sge.u32 @!p3 s24, s12;
	[sflag:s29] =	ssyncset.done @!p0 $0x0  }
0x46: {  	s0 =	sadd.s32 @!p1 $0x30, s31;
	p5 =	por p2, p3;
	[sflag:s29] =	ssyncadd.s32 @!p0 $0xFFFFC000  }
0x47: {  	[tilespmem:s17], [sflag:$0x2] =	stream.linear.gather @!p1 [hbm4b:s0+s2], $0x80, $0x38;
	[tilespmem:$0x1C200] =	vst v63  }
0x48: {  	s0 =	simm.s32 @!p5 $0x2;
	s17 =	simm.s32 @!p1 $0x180  }
0x49: {  	[tilespmem:s17], [sflag:$0x2] =	stream.linear.gather @!p1 [hbm4b:s28+s2], $0x80, $0x38;
	[tilespmem:$0x1C200] =	vst v63  }
0x4a: {  	_ =	swait.ge @!p5 [sflag:s0], $0x80  }
0x4b: {  	[sflag:s0] =	ssyncset.done @!p5 $0x0  }
0x4c: {  	[sflag:s0] =	ssyncadd.s32 @!p5 $0xFFFFFF80  }
0x4d: {  	s26 =	smov.u32 s23;
	_ =	swait.ge @!p5 [sflag:s0], $0x80  }
0x4e: {  	s19 =	sadd.s32 @!p3 $0x2, s24;
	s2 =	simm.s32 @!p3 $0x3;
	[sflag:s0] =	ssyncset.done @!p5 $0x0  }
0x4f: {  	s17 =	simm.s32 @!p5 $0x4200;
	[sflag:s0] =	ssyncadd.s32 @!p5 $0xFFFFFF80;
	s0 =	simm.s32 @!p5 $0x80  }
0x50: {  	[tilespmem:s17], [sflag:$0x4] =	stream.indirect.gather @!p5 [hbm4b:s4+s0], $0x80, s0, s0, $0xb8;
	[tilespmem:$0x1C200] =	vst v63  }
0x51: {  	s23 =	smov.u32 s25;
	p4 =	sge.u32 @!p3 s19, s6;
	_ =	swait.ge @!p3 [sflag:s2], $0x4000  }
0x52: {  	s19 =	simm.s32 @!p3 $0x100;
	s0 =	simm.s32 @!p3 $0x200;
	[sflag:s2] =	ssyncset.done @!p3 $0x0  }
0x53: {  	s17 =	simm.s32 @!p3 $0x5;
	[sflag:s2] =	ssyncadd.s32 @!p3 $0xFFFFC000;
	s2 =	simm.s32 @!p3 $0x80  }
0x54: {  	[spmem:s1] =	stream.indirect.scatter.add.f32 @!p3 [tilespmem:s0], [sflag:$0x5], $0x80, s19, s2, $0xb8;
	[tilespmem:$0x1C200] =	vst v63  }
0x55: {  	s25 =	sadd.s32 $0x20, s25;
	p4 =	por p4, p3;
	_ =	swait.ge @!p3 [sflag:s17], $0x4000  }
0x56: {  	p0 =	sge.u32 s24, s12;
	s0 =	sadd.s32 @!p4 s26, s8;
	[sflag:s17] =	ssyncset.done @!p3 $0x0  }
0x57: {  	s0 =	sadd.s32 @!p4 $0x20, s0;
	s2 =	rddreg [dreg:$0x5];
	[sflag:s17] =	ssyncadd.s32 @!p3 $0xFFFFC000  }
0x58: {  	s17 =	simm.s32 @!p4 $0x0;
	p1 =	sge.u32 @!p0 s24, s2;
	s2 =	sadd.s32 @!p0 $0x3, s24  }
0x59: {  	[tilespmem:s17], [sflag:$0x1] =	stream.linear.gather @!p4 [hbm4b:s0+s17], $0x80, $0x38;
	[tilespmem:$0x1C200] =	vst v63  }
0x5a: {  	s0 =	sadd.s32 @!p4 s26, s9;
	p3 =	por p1, p0;
	p1 =	sge.u32 @!p0 s2, s6  }
0x5b: {  	s2 =	simm.s32 @!p4 $0x100;
	s0 =	sadd.s32 @!p4 $0x20, s0;
	s19 =	simm.s32 @!p3 $0x1  }
0x5c: {  	[tilespmem:s2], [sflag:$0x1] =	stream.linear.gather @!p4 [hbm4b:s0+s17], $0x80, $0x38;
	[tilespmem:$0x1C200] =	vst v63  }
0x5d: {  	p2 =	sne.s32 s25, $0x860;
	_ =	swait.ge @!p3 [sflag:s19], $0x80  }
0x5e: {  	s30 =	simm.s32 @!p0 $0x4;
	s29 =	simm.s32 @!p0 $0x5;
	[sflag:s19] =	ssyncset.done @!p3 $0x0  }
0x5f: {  	s24 =	sadd.s32 $0x2, s24;
	p1 =	por p1, p0;
	[sflag:s19] =	ssyncadd.s32 @!p3 $0xFFFFFF80  }
.Ltmp0:
0x60: {  	s0 =	sadd.s32 @!p1 s26, s9;
	_ =	swait.ge @!p3 [sflag:s19], $0x80;
	(pc) =	sbr.rel @p2 .LBB2_2-.Ltmp0, $4  }
0x61: {  	s2 =	simm.s32 @!p3 $0x80;
	s17 =	simm.s32 @!p3 $0x0;
	[sflag:s19] =	ssyncset.done @!p3 $0x0  }
0x62: {  	s28 =	sadd.s32 @!p1 $0x30, s0;
	s0 =	simm.s32 @!p3 $0x200;
	[sflag:s19] =	ssyncadd.s32 @!p3 $0xFFFFFF80  }
0x63: {  	[tilespmem:s0], [sflag:$0x3] =	stream.indirect.gather @!p3 [hbm4b:s4+s2], $0x80, s17, s2, $0xb8;
	[tilespmem:$0x1C200] =	vst v63  }
0x64: {  	s31 =	sadd.s32 @!p1 s26, s8;
	s0 =	simm.s32 @!p0 $0x80;
	_ =	swait.ge @!p0 [sflag:s30], $0x4000  }
0x65: {  	[sflag:s30] =	ssyncset.done @!p0 $0x0;
	s2 =	simm.s32 @!p0 $0x180  }
0x66: {  	s17 =	simm.s32 @!p0 $0x4200;
	p2 =	sge.u32 s24, s6;
	[sflag:s30] =	ssyncadd.s32 @!p0 $0xFFFFC000  }
0x67: {  	[spmem:s1] =	stream.indirect.scatter.add.f32 @!p0 [tilespmem:s17], [sflag:$0x5], $0x80, s2, s0, $0xb8;
	[tilespmem:$0x1C200] =	vst v63  }
0x68: {  	p3 =	sge.u32 @!p2 s24, s12;
	_ =	swait.ge @!p0 [sflag:s29], $0x4000  }
0x69: {  	s0 =	simm.s32 @!p1 $0x0;
	s2 =	simm.s32 @!p1 $0x80;
	[sflag:s29] =	ssyncset.done @!p0 $0x0  }
0x6a: {  	s17 =	sadd.s32 @!p1 $0x30, s31;
	p3 =	por p3, p2;
	[sflag:s29] =	ssyncadd.s32 @!p0 $0xFFFFC000  }
0x6b: {  	[tilespmem:s2], [sflag:$0x2] =	stream.linear.gather @!p1 [hbm4b:s17+s0], $0x80, $0x38;
	[tilespmem:$0x1C200] =	vst v63  }
0x6c: {  	s2 =	simm.s32 @!p3 $0x2;
	s17 =	simm.s32 @!p1 $0x180  }
0x6d: {  	[tilespmem:s17], [sflag:$0x2] =	stream.linear.gather @!p1 [hbm4b:s28+s0], $0x80, $0x38;
	[tilespmem:$0x1C200] =	vst v63  }
0x6e: {  	_ =	swait.ge @!p3 [sflag:s2], $0x80  }
0x6f: {  	[sflag:s2] =	ssyncset.done @!p3 $0x0  }
0x70: {  	[sflag:s2] =	ssyncadd.s32 @!p3 $0xFFFFFF80  }
0x71: {  	_ =	swait.ge @!p3 [sflag:s2], $0x80  }
0x72: {  	s19 =	simm.s32 @!p3 $0x4200;
	s0 =	sadd.s32 @!p2 $0x2, s24;
	[sflag:s2] =	ssyncset.done @!p3 $0x0  }
0x73: {  	s17 =	simm.s32 @!p2 $0x3;
	[sflag:s2] =	ssyncadd.s32 @!p3 $0xFFFFFF80;
	s2 =	simm.s32 @!p3 $0x80  }
0x74: {  	[tilespmem:s19], [sflag:$0x4] =	stream.indirect.gather @!p3 [hbm4b:s4+s2], $0x80, s2, s2, $0xb8;
	[tilespmem:$0x1C200] =	vst v63  }
0x75: {  	p0 =	sge.u32 @!p2 s0, s6;
	s0 =	simm.s32 @!p2 $0x200;
	_ =	swait.ge @!p2 [sflag:s17], $0x4000  }
0x76: {  	s2 =	simm.s32 @!p2 $0x5;
	s19 =	simm.s32 @!p2 $0x100;
	[sflag:s17] =	ssyncset.done @!p2 $0x0  }
0x77: {  	p3 =	por p0, p2;
	[sflag:s17] =	ssyncadd.s32 @!p2 $0xFFFFC000;
	s17 =	simm.s32 @!p2 $0x80  }
0x78: {  	[spmem:s1] =	stream.indirect.scatter.add.f32 @!p2 [tilespmem:s0], [sflag:$0x5], $0x80, s19, s17, $0xb8;
	[tilespmem:$0x1C200] =	vst v63  }
0x79: {  	p0 =	sge.u32 s24, s12;
	s0 =	sadd.s32 @!p3 s23, s8;
	_ =	swait.ge @!p2 [sflag:s2], $0x4000  }
0x7a: {  	s0 =	sadd.s32 @!p3 $0x20, s0;
	[sflag:s2] =	ssyncset.done @!p2 $0x0;
	s17 =	rddreg [dreg:$0x5]  }
0x7b: {  	[sflag:s2] =	ssyncadd.s32 @!p2 $0xFFFFC000;
	s2 =	simm.s32 @!p3 $0x0;
	p1 =	sge.u32 @!p0 s24, s17  }
0x7c: {  	[tilespmem:s2], [sflag:$0x1] =	stream.linear.gather @!p3 [hbm4b:s0+s2], $0x80, $0x38;
	[tilespmem:$0x1C200] =	vst v63  }
0x7d: {  	s0 =	sadd.s32 @!p3 s23, s9;
	p1 =	por p1, p0  }
0x7e: {  	s17 =	simm.s32 @!p3 $0x100;
	s0 =	sadd.s32 @!p3 $0x20, s0;
	s19 =	simm.s32 @!p1 $0x1  }
0x7f: {  	[tilespmem:s17], [sflag:$0x1] =	stream.linear.gather @!p3 [hbm4b:s0+s2], $0x80, $0x38;
	[tilespmem:$0x1C200] =	vst v63  }
0x80: {  	_ =	swait.ge @!p1 [sflag:s19], $0x80  }
0x81: {  	[sflag:s19] =	ssyncset.done @!p1 $0x0  }
0x82: {  	[sflag:s19] =	ssyncadd.s32 @!p1 $0xFFFFFF80  }
0x83: {  	s0 =	sadd.s32 @!p0 $0x3, s24;
	s2 =	simm.s32 @!p1 $0x200;
	_ =	swait.ge @!p1 [sflag:s19], $0x80  }
0x84: {  	s17 =	simm.s32 @!p1 $0x80;
	p2 =	sge.u32 @!p0 s0, s6;
	[sflag:s19] =	ssyncset.done @!p1 $0x0  }
0x85: {  	s0 =	simm.s32 @!p0 $0x4;
	[sflag:s19] =	ssyncadd.s32 @!p1 $0xFFFFFF80;
	s19 =	simm.s32 @!p1 $0x0  }
0x86: {  	[tilespmem:s2], [sflag:$0x3] =	stream.indirect.gather @!p1 [hbm4b:s4+s17], $0x80, s19, s17, $0xb8;
	[tilespmem:$0x1C200] =	vst v63  }
0x87: {  	p1 =	por p2, p0;
	_ =	swait.ge @!p0 [sflag:s0], $0x4000  }
0x88: {  	s2 =	simm.s32 @!p0 $0x5;
	s17 =	simm.s32 @!p0 $0x80;
	[sflag:s0] =	ssyncset.done @!p0 $0x0  }
0x89: {  	s19 =	simm.s32 @!p0 $0x4200;
	[sflag:s0] =	ssyncadd.s32 @!p0 $0xFFFFC000;
	s0 =	simm.s32 @!p0 $0x180  }
0x8a: {  	[spmem:s1] =	stream.indirect.scatter.add.f32 @!p0 [tilespmem:s19], [sflag:$0x5], $0x80, s0, s17, $0xb8;
	[tilespmem:$0x1C200] =	vst v63  }
0x8b: {  	s22 =	sadd.s32 $0x1, s22;
	s0 =	sadd.s32 @!p1 s23, s9;
	_ =	swait.ge @!p0 [sflag:s2], $0x4000  }
0x8c: {  	s17 =	sadd.s32 @!p1 s23, s8;
	s19 =	simm.s32 @!p1 $0x0;
	[sflag:s2] =	ssyncset.done @!p0 $0x0  }
0x8d: {  	s23 =	simm.s32 @!p1 $0x80;
	s17 =	sadd.s32 @!p1 $0x30, s17;
	[sflag:s2] =	ssyncadd.s32 @!p0 $0xFFFFC000  }
0x8e: {  	[tilespmem:s23], [sflag:$0x2] =	stream.linear.gather @!p1 [hbm4b:s17+s19], $0x80, $0x38;
	[tilespmem:$0x1C200] =	vst v63  }
0x8f: {  	s0 =	sadd.s32 @!p1 $0x30, s0;
	s2 =	simm.s32 @!p1 $0x180;
	p0 =	sne.s32 s22, s14  }
0x90: {  	[tilespmem:s2], [sflag:$0x2] =	stream.linear.gather @!p1 [hbm4b:s0+s19], $0x80, $0x38;
	[tilespmem:$0x1C200] =	vst v63  }
.Ltmp1:
0x91: {  	[bflag:$0x0] =	sbarrier.arrive $0xFFFF;
	(pc) =	sbr.rel @p0 .LBB2_1-.Ltmp1, $4  }
0x92: {  	[hbm:s13], [sflag:s7] =	dma.local [spmem:s15], $0x2800  }
0x93: {  	_ =	swait.ge [sflag:s16], $0x2800  }
0x94: {  	[sflag:s16] =	ssyncset.done $0x0  }
0x95: {  	[sflag:s16] =	ssyncadd.s32 $0xFFFFD800  }
0x96: {  	_ =	sfence.sel $0x180000  }
0x97: {  	[bflag:$0x0] =	sbarrier.arrive $0xFFFF  }
0x98: {  	_ =	strace $0x9000004D  }
0x99: {  	s0 =	stileid.u32;
	[bflag:$0x2] =	sbarrier.arrive $0xFFFF  }
0x9a: {  	p0 =	sne.s32 s0, $0x0;
	s0 =	rddreg [dreg:$0x4]  }
0x9b: {  	s0 =	sadd.s32 @!p0 $0x100000, s0  }
0x9c: {  	[sflag:s0] =	ssyncadd.tile.s32 @!p0 $0x1;
	_ =	shalt  }
.Lfunc_end2:
_tile_overlayer_lowered:
.L_overlay_start_2:
0x9d: {  	(tag) =	ssettag $0x2  }
0x9e: {  	s0 =	rddreg [dreg:$0x0];
	s2 =	stileid.u32  }
0x9f: {  	s1 =	rddreg [dreg:$0x1];
	p0 =	sne.s32 s2, $0x0  }
0xa0: {  	s3 =	rddreg [dreg:$0x2];
	[bflag:$0x3] =	sbarrier.arrive $0xFFFF;
	s2 =	simm.s32 @!p0 $0x1C05  }
0xa1: {  	[timem:s3], [sflag:s2] =	dma.local @!p0 [hbm:s0], s1  }
0xa2: {  	s0 =	simm.s32 @!p0 $0x5  }
0xa3: {  	_ =	swait.ge @!p0 [sflag:s0], s1  }
0xa4: {  	s1 =	ssub.s32 @!p0 $0x0, s1;
	[sflag:s0] =	ssyncset.done @!p0 $0x0  }
0xa5: {  	[sflag:s0] =	ssyncadd.s32 @!p0 s1  }
0xa6: {  	[bflag:$0x3] =	sbarrier.arrive $0xFFFF  }
0xa7: {  	_ =	shalt  }

// kernel: kernel.8.cloned.1.call-start
scs
__scs_entry_jumppad:
0x0: {  	(pc) =	sbr.rel $0x88, $3  }
0x1: {  	(tag) =	ssettag $0x0;
	lr =	simm.s32 $0x1  }
0x2: {  	[smem:$0x3F9B] =	sst lr;
	_ =	strace $0xD0000000  }
0x3: {  	_ = 	snop  }
0x4: {  	_ = 	snop  }
0x5: {  	_ = 	snop  }
0x6: {  	_ = 	snop  }
0x7: {  	_ = 	snop  }
__scs_overlays_trampoline_lowered:
0x8: {  	[smem:$0x3FAA] =	sst s0  }
0x9: {  	[smem:$0x3FAB] =	sst s1  }
0xa: {  	[smem:$0x3FAC] =	sst s2  }
0xb: {  	[smem:$0x3FAD] =	sst s3  }
0xc: {  	[smem:$0x3FAE] =	sst s4  }
0xd: {  	[smem:$0x3FAF] =	sst s5  }
0xe: {  	[smem:$0x3FB0] =	sst s6  }
0xf: {  	[smem:$0x3FB1] =	sst s7  }
0x10: {  	[smem:$0x3FB2] =	sst s8  }
0x11: {  	[smem:$0x3FB3] =	sst s9;
	s0 =	simm.s32 @!p0 $0x0  }
0x12: {  	s1 =	sld [smem:$0x3F99];
	s0 =	simm.s32 @p0 $0x1  }
0x13: {  	[smem:$0x3FB4] =	sst s0;
	s0 =	simm.s32 @!p1 $0x0  }
0x14: {  	s2 =	sld [smem:$0x3F98];
	s0 =	simm.s32 @p1 $0x1  }
0x15: {  	[smem:$0x3FB5] =	sst s0;
	s0 =	simm.s32 @!p2 $0x0  }
0x16: {  	s3 =	sld [smem:$0x3FDB];
	s0 =	simm.s32 @p2 $0x1  }
0x17: {  	s4 =	simm.s32 $0x1BF5;
	[smem:$0x3FB7] =	sst s0  }
0x18: {  	s0 =	sld [smem:$0x3F9A];
	_ =	swait.ge [sflag:s4], $0x0  }
0x19: {  	s7 =	sld [smem:$0x3F9B]  }
0x1a: {  	s8 =	sadd.s32 $0xFFFFE003, lr  }
0x1b: {  	s9 =	sadd.s32 $0xFFFFFEF7, lr;
	s5 =	simm.s32 $0xFFFFFFFF;
	p2 =	slt.u32 s8, $0xFFFFF086  }
0x1c: {  	p1 =	slt.u32 s9, $0xF7A;
	s5 =	simm.s32 @!p2 $0x0  }
0x1d: {  	s5 =	simm.s32 @p1 $0x1;
	p0 =	seq.s32 s7, s2  }
0x1e: {  	s7 =	smul.u32 @!p0 $0xF7A, s2;
	p2 =	seq.s32 @!p0 s5, $0x0  }
0x1f: {  	s9 =	smul.u32 $0xF7A, s1;
	s8 =	simm.s32 @!p0 $0x1BF5;
	p2 =	por !p2, p0  }
0x20: {  	[sflag:s8] =	ssyncset.s32 @!p0 $0xFFFFF086;
	s6 =	sadd.s32 @!p0 s3, s7;
	s7 =	simm.s32 @!p0 $0x108  }
0x21: {  	s3 =	sadd.s32 s3, s9;
	s6 =	sadd.s32 @!p0 $0x88, s6;
	s7 =	simm.s32 @p2 $0x1082  }
0x22: {  	[simem:s7], [sflag:s8] =	dma.local @!p0 [hbm:s6], $0xF7A  }
0x23: {  	s9 =	sor.u32 $0xD0000000, s2;
	s6 =	simm.s32 $0x108;
	_ =	swait.ge @!p0 [sflag:s8], $0x0  }
0x24: {  	s3 =	sadd.s32 $0x88, s3;
	s6 =	simm.s32 @!p1 $0x1082;
	[sflag:s4] =	ssyncset.s32 $0xFFFFF086  }
0x25: {  	[simem:s6], [sflag:s4] =	dma.local [hbm:s3], $0xF7A  }
0x26: {  	[smem:$0x3F9B] =	sst s1;
	(tag) =	ssettag s2;
	_ =	strace s9  }
0x27: {  	s1 =	sld [smem:$0x3FAB]  }
0x28: {  	s2 =	sld [smem:$0x3FAC]  }
0x29: {  	s4 =	sld [smem:$0x3FAE]  }
0x2a: {  	p0 =	seq.s32 s5, $0x0;
	s5 =	sld [smem:$0x3FAF]  }
0x2b: {  	s6 =	sld [smem:$0x3FB0]  }
0x2c: {  	s7 =	sld [smem:$0x3FB1]  }
0x2d: {  	s3 =	simm.s32 $0x108;
	s8 =	sld [smem:$0x3FB2]  }
0x2e: {  	s3 =	simm.s32 @!p0 $0x1082;
	s9 =	sld [smem:$0x3FB3]  }
0x2f: {  	lr =	sadd.s32 s0, s3;
	s0 =	sld [smem:$0x3FAA]  }
0x30: {  	s3 =	sld [smem:$0x3FAD]  }
0x31: {  	[smem:$0x3FB6] =	sst s10  }
0x32: {  	s10 =	sld [smem:$0x3FB4];
	_ =	sdelay $0x3  }
0x33: {  	p0 =	seq.s32 s10, $0x1;
	s10 =	sld [smem:$0x3FB6];
	_ =	sdelay $0x3  }
0x34: {  	[smem:$0x3FB6] =	sst s10  }
0x35: {  	s10 =	sld [smem:$0x3FB5];
	_ =	sdelay $0x3  }
0x36: {  	p1 =	seq.s32 s10, $0x1;
	s10 =	sld [smem:$0x3FB6];
	_ =	sdelay $0x3  }
0x37: {  	[smem:$0x3FB6] =	sst s10  }
0x38: {  	s10 =	sld [smem:$0x3FB7]  }
0x39: {  	_ = 	snop;
	(pc) =	sbr.ind lr, $3  }
0x3a: {  	_ = 	snop  }
0x3b: {  	_ = 	snop  }
0x3c: {  	p2 =	seq.s32 s10, $0x1;
	s10 =	sld [smem:$0x3FB6]  }
0x3d: {  	_ =	shalt  }
0x3e: {  	_ =	shalt  }
0x3f: {  	_ =	shalt  }
0x40: {  	_ =	shalt  }
0x41: {  	_ =	shalt  }
0x42: {  	_ =	shalt  }
0x43: {  	_ =	shalt  }
0x44: {  	_ =	shalt  }
0x45: {  	_ =	shalt  }
0x46: {  	_ =	shalt  }
0x47: {  	_ =	shalt  }
0x48: {  	_ =	shalt  }
0x49: {  	_ =	shalt  }
0x4a: {  	_ =	shalt  }
0x4b: {  	_ =	shalt  }
0x4c: {  	_ =	shalt  }
0x4d: {  	_ =	shalt  }
0x4e: {  	_ =	shalt  }
0x4f: {  	_ =	shalt  }
0x50: {  	_ =	shalt  }
0x51: {  	_ =	shalt  }
0x52: {  	_ =	shalt  }
0x53: {  	_ =	shalt  }
0x54: {  	_ =	shalt  }
0x55: {  	_ =	shalt  }
0x56: {  	_ =	shalt  }
0x57: {  	_ =	shalt  }
0x58: {  	_ =	shalt  }
0x59: {  	_ =	shalt  }
0x5a: {  	_ =	shalt  }
0x5b: {  	_ =	shalt  }
0x5c: {  	_ =	shalt  }
0x5d: {  	_ =	shalt  }
0x5e: {  	_ =	shalt  }
0x5f: {  	_ =	shalt  }
0x60: {  	_ =	shalt  }
0x61: {  	_ =	shalt  }
0x62: {  	_ =	shalt  }
0x63: {  	_ =	shalt  }
0x64: {  	_ =	shalt  }
0x65: {  	_ =	shalt  }
0x66: {  	_ =	shalt  }
0x67: {  	_ =	shalt  }
0x68: {  	_ =	shalt  }
0x69: {  	_ =	shalt  }
0x6a: {  	_ =	shalt  }
0x6b: {  	_ =	shalt  }
0x6c: {  	_ =	shalt  }
0x6d: {  	_ =	shalt  }
0x6e: {  	_ =	shalt  }
0x6f: {  	_ =	shalt  }
0x70: {  	_ =	shalt  }
0x71: {  	_ =	shalt  }
0x72: {  	_ =	shalt  }
0x73: {  	_ =	shalt  }
0x74: {  	_ =	shalt  }
0x75: {  	_ =	shalt  }
0x76: {  	_ =	shalt  }
0x77: {  	_ =	shalt  }
0x78: {  	_ =	shalt  }
0x79: {  	_ =	shalt  }
0x7a: {  	_ =	shalt  }
0x7b: {  	_ =	shalt  }
0x7c: {  	_ =	shalt  }
0x7d: {  	_ =	shalt  }
0x7e: {  	_ =	shalt  }
0x7f: {  	_ =	shalt  }
0x80: {  	_ =	shalt  }
0x81: {  	_ =	shalt  }
0x82: {  	_ =	shalt  }
0x83: {  	_ =	shalt  }
0x84: {  	_ =	shalt  }
0x85: {  	_ =	shalt  }
0x86: {  	_ =	shalt  }
0x87: {  	_ =	shalt  }
.Lfunc_end0:
.L_simem_size_0:
called_computation_lowered:
.L_overlay_start_0:
0x88: {  	s2 =	sld [smem:$0x3FD9]  }
0x89: {  	s3 =	sld [smem:$0x3FFE];
	_ =	sdelay $0x1  }
0x8a: {  	s1 =	srdreg.scid  }
0x8b: {  	s0 =	sand.u32 $0x1, s1  }
0x8c: {  	s14 =	sshll.u32 s0, $0xA;
	s2 =	sadd.s32 s3, s2  }
0x8d: {  	s2 =	sadd.s32 s2, s14  }
0x8e: {  	[smem:$0x3FC2] =	sst s2  }
0x8f: {  	_ = 	snop  }
0x90: {  	s2 =	sld [smem:$0x3FD0];
	_ =	sdelay $0x2  }
0x91: {  	s15 =	simm.s32 $0xA;
	s4 =	simm.s32 $0x10  }
0x92: {  	[smem:s4], [sflag:s15] =	dma.local [hbm:s2], $0x1  }
0x93: {  	_ =	swait.eq [sflag:s15], $0x1  }
0x94: {  	[sflag:s15] =	ssyncset.done $0x0  }
0x95: {  	[sflag:s15] =	ssyncadd.s32 $0xFFFFFFFF  }
0x96: {  	s16 =	sld [smem:$0x10];
	(tm) =	ssettm $0x1  }
0x97: {  	s17 =	sld [smem:$0x3FFB];
	_ =	sdelay $0x3  }
0x98: {  	_ =	strace s17  }
0x99: {  	s3 =	sld [smem:$0x3FFC];
	_ =	sdelay $0x3  }
0x9a: {  	_ =	strace s3  }
0x9b: {  	s3 =	sld [smem:$0x3FFD];
	_ =	sdelay $0x3  }
0x9c: {  	_ =	strace s3  }
0x9d: {  	_ =	strace $0x8FFFFFFF  }
0x9e: {  	s18 =	sld [smem:$0x3FDB];
	_ =	sdelay $0x1  }
0x9f: {  	s19 =	simm.s32 $_scs_section_size  }
0xa0: {  	s5 =	simm.s32 $_size__tile_overlayer_lowered;
	s6 =	simm.s32 $_tile_overlayer_lowered  }
0xa1: {  	s22 =	simm.s32 $0x1BFF;
	s21 =	sshll.u32 s6, $0x1;
	s3 =	sadd.s32 s19, s18  }
0xa2: {  	s7 =	simm.s32 $0x0;
	s20 =	sshll.u32 s5, $0x1;
	s5 =	sadd.s32 s21, s3  }
0xa3: {  	[timem:s7], [sflag:s22] =	dma.local [hbm:s5], s20  }
0xa4: {  	_ =	swait.ge [sflag:s22], s20  }
0xa5: {  	s4 =	ssub.s32 $0x0, s20;
	[sflag:s22] =	ssyncset.done $0x0  }
0xa6: {  	[sflag:s22] =	ssyncadd.s32 s4;
	_ =	sdelay $0x1  }
0xa7: {  	s23 =	simm.s32 $0x1B8B  }
0xa8: {  	_ =	swait.ge [sflag:s23], $0x1  }
0xa9: {  	[sflag:s23] =	ssyncset.done $0x0  }
0xaa: {  	s25 =	simm.s32 $0x1B8E;
	s24 =	sld [smem:$0x3FFE];
	[sflag:s23] =	ssyncadd.s32 $0xFFFFFFFF  }
0xab: {  	s26 =	simm.s32 $execute0_lowered;
	[smem:$0x3FD2] =	sst s25  }
0xac: {  	s5 =	sshll.u32 s26, $0x1;
	_ =	strace $0x80000046;
	[dreg:$0x1] =	wrdreg $0xFFFFFFFF  }
0xad: {  	s28 =	simm.s32 $_size_execute0_lowered;
	s3 =	sadd.s32 s3, s5;
	[dreg:$0x0] =	wrdreg $0x0  }
0xae: {  	s5 =	sshll.u32 s28, $0x1;
	[dreg:$0x2] =	wrdreg s3  }
0xaf: {  	[dreg:$0x3] =	wrdreg s5  }
0xb0: {  	[dreg:$0x4] =	wrdreg $0xC0  }
0xb1: {  	_ =	task [dreg:s7], $0x5FFFF  }
0xb2: {  	[dreg:$0x1] =	wrdreg $0xFFFFFFFF  }
0xb3: {  	[dreg:$0x0] =	wrdreg $0x60  }
0xb4: {  	[dreg:$0x2] =	wrdreg s16  }
0xb5: {  	[dreg:$0x3] =	wrdreg s24  }
0xb6: {  	[dreg:$0x4] =	wrdreg $0x41000  }
0xb7: {  	[dreg:$0x5] =	wrdreg $0x9  }
0xb8: {  	_ =	task.clear_ibuf [dreg:s7], $0x6FFFF;
	_ =	strace $0x90000046  }
0xb9: {  	s29 =	simm.s32 $0x9;
	_ =	strace $0x80000048  }
0xba: {  	_ =	swait.ge [sflag:s29], $0x1  }
0xbb: {  	[sflag:s29] =	ssyncadd.s32 $0xFFFFFFFF  }
0xbc: {  	_ =	strace $0x90000048  }
0xbd: {  	_ =	sfence  }
0xbe: {  	s30 =	sld [smem:$0x0];
	_ =	sdelay $0x2  }
0xbf: {  	s31 =	sshll.u32 s1, $0xD;
	s1 =	sshrl.u32 s1, $0x2  }
0xc0: {  	s3 =	sand.u32 $0x4000, s31;
	s1 =	sadd.s32 s1, s30  }
0xc1: {  	s0 =	sor.u32 s3, s0;
	s1 =	sshll.u32 s1, $0x11  }
0xc2: {  	s0 =	sor.u32 s1, s0  }
0xc3: {  	s0 =	sadd.s32 $0x8F2B, s0  }
0xc4: {  	[sflag:s0] =	ssyncadd.remote.s32 $0x1  }
0xc5: {  	_ =	sfence.sel $0xFFFF  }
0xc6: {  	[dreg:$0x0] =	wrdreg $0xFFFFFFFF;
	(pc) =	sbr.abs _section_cstart, $3  }
0xc7: {  	[dreg:$0x1] =	wrdreg $0xFFFFFFFF  }
0xc8: {  	_ =	task.clear_ibuf [dreg:s7], $0x2FFFF;
	_ =	strace $0x9FFFFFFF  }
0xc9: {  	(tm) =	ssettm $0x7FFFFFFF  }
tec
execute0_lowered:
.L_overlay_start_1:
0x0: {  	(tag) =	ssettag $0x1  }
0x1: {  	s9 =	rddreg [dreg:$0x0]  }
0x2: {  	s6 =	rddreg [dreg:$0x1]  }
0x3: {  	s1 =	rddreg [dreg:$0x2]  }
0x4: {  	s0 =	rddreg [dreg:$0x3];
	s3 =	srdreg.scid  }
0x5: {  	s2 =	simm.s32 $0x0;
	s17 =	simm.s32 $0x1;
	s7 =	sand.u32 $0x1, s3  }
0x6: {  	s18 =	simm.s32 $0x2;
	s3 =	stileid.u32;
	s8 =	smul.u32 $0x140000, s7  }
0x7: {  	s19 =	simm.s32 $0x0;
	[smem:$0x7FF] =	sst s2;
	s10 =	smul.u32 $0x14000, s3  }
0x8: {  	s4 =	sadd.s32 $0x4A00, s6;
	s5 =	sadd.s32 $0x2200, s6;
	s12 =	smul.u32 $0x50000, s3  }
0x9: {  	_ =	strace $0x80000047;
	s11 =	sshll.u32 s7, $0x4;
	s29 =	smul.u32 $0x4F00, s7  }
0xa: {  	s23 =	ssub.s32 $0x2, s7;
	s30 =	smul.u32 $0x4F0, s3;
	s11 =	sor.u32 s3, s11  }
0xb: {  	s31 =	sshll.u32 s3, $0x6;
	s14 =	sshrl.u32 s23, $0x1;
	s13 =	smul.u32 $0x2780, s11  }
0xc: {  	s8 =	sadd.s32 s10, s8;
	s15 =	smul.u32 $0x380, s11;
	s10 =	ssub.s32 s23, s14  }
0xd: {  	s24 =	sshrl.u32 s12, $0x2;
	s11 =	smul.u32 $0x4F0, s11;
	s8 =	sshrl.u32 s8, $0x3  }
0xe: {  	s14 =	sor.u32 $0x1C03, s31;
	s16 =	sadd.s32 s24, s1;
	s8 =	sadd.s32 s8, s6  }
0xf: {  	s25 =	sand.u32 $0x7FC00, s13;
	s26 =	sand.u32 $0x380, s15;
	s28 =	sshrl.u32 s13, $0x3  }
0x10: {  	s11 =	sadd.s32 s9, s11;
	s13 =	sadd.s32 s29, s9;
	s15 =	sshrl.u32 s16, $0x3  }
0x11: {  	s16 =	simm.s32 $0x80;
	s6 =	sor.u32 s26, s25;
	s12 =	sadd.s32 s9, s28  }
0x12: {  	s8 =	sadd.s32 $0x5200, s8;
	s6 =	sshrl.u32 s6, $0x3;
	s7 =	sadd.s32 $0x10, s12  }
0x13: {  	s12 =	simm.s32 $0x100;
	s6 =	sadd.s32 s9, s6;
	s9 =	smax.u32 s10, $0x1  }
0x14: {  	s10 =	sadd.s32 $0x4E0, s11;
	s11 =	sadd.s32 s30, s13;
	s13 =	simm.s32 $0x3  }
.LBB2_1:
0x15: {  	[tilespmem:s12], [sflag:$0x3] =	stream.linear.gather [hbm4b:s4+s2], $0x4000, $0x38;
	[tilespmem:$0x18100] =	vst v63  }
0x16: {  	_ =	swait.ge [sflag:s13], $0x4000  }
0x17: {  	[sflag:s13] =	ssyncset.done $0x0  }
0x18: {  	[sflag:s13] =	ssyncadd.s32 $0xFFFFC000  }
0x19: {  	[spmem:s15], [sflag:s14] =	dma.local [hbm:s5], $0x2800  }
0x1a: {  	_ =	swait.ge [sflag:s13], $0x2800  }
0x1b: {  	[sflag:s13] =	ssyncset.done $0x0  }
0x1c: {  	[sflag:s13] =	ssyncadd.s32 $0xFFFFD800  }
0x1d: {  	[bflag:$0x0] =	sbarrier.arrive $0xFFFF  }
0x1e: {  	[tilespmem:s2], [sflag:$0x1] =	stream.linear.gather [hbm4b:s6+s2], $0x80, $0x38;
	[tilespmem:$0x18100] =	vst v63  }
0x1f: {  	_ = 	snop  }
0x20: {  	[tilespmem:s16], [sflag:$0x2] =	stream.linear.gather [hbm4b:s7+s2], $0x80, $0x38;
	[tilespmem:$0x18100] =	vst v63  }
0x21: {  	_ =	swait.ge [sflag:s17], $0x80  }
0x22: {  	[sflag:s17] =	ssyncset.done $0x0  }
0x23: {  	[sflag:s17] =	ssyncadd.s32 $0xFFFFFF80  }
0x24: {  	[spmem:s1] =	stream.indirect.scatter.add.f32 [tilespmem:s12], [sflag:$0x3], $0x80, s2, s16, $0xb8;
	[tilespmem:$0x18100] =	vst v63  }
0x25: {  	_ =	swait.ge [sflag:s13], $0x4000  }
0x26: {  	s21 =	sadd.s32 $0xFFFFFB40, s11;
	[sflag:s13] =	ssyncset.done $0x0  }
0x27: {  	s20 =	sadd.s32 $0x4E0, s21;
	[sflag:s13] =	ssyncadd.s32 $0xFFFFC000  }
0x28: {  	[tilespmem:s2], [sflag:$0x1] =	stream.linear.gather [hbm4b:s20+s2], $0x80, $0x38;
	[tilespmem:$0x18100] =	vst v63  }
0x29: {  	_ =	swait.ge [sflag:s18], $0x80  }
0x2a: {  	[sflag:s18] =	ssyncset.done $0x0  }
0x2b: {  	[sflag:s18] =	ssyncadd.s32 $0xFFFFFF80  }
0x2c: {  	[spmem:s1] =	stream.indirect.scatter.add.f32 [tilespmem:s12], [sflag:$0x3], $0x80, s16, s16, $0xb8;
	[tilespmem:$0x18100] =	vst v63  }
0x2d: {  	_ =	swait.ge [sflag:s13], $0x4000  }
0x2e: {  	[sflag:s13] =	ssyncset.done $0x0  }
0x2f: {  	s21 =	sadd.s32 $0x4F0, s21;
	s20 =	simm.s32 $0xFFFFFB60;
	[sflag:s13] =	ssyncadd.s32 $0xFFFFC000  }
.LBB2_2:
0x30: {  	[tilespmem:s16], [sflag:$0x2] =	stream.linear.gather [hbm4b:s21+s2], $0x80, $0x38;
	[tilespmem:$0x18100] =	vst v63  }
0x31: {  	s21 =	smov.u32 s20  }
0x32: {  	p0 =	sne.s32 s20, $0xFFFFFFE0;
	s20 =	sadd.s32 $0x20, s20;
	_ =	swait.ge [sflag:s17], $0x80  }
0x33: {  	[sflag:s17] =	ssyncset.done $0x0  }
0x34: {  	[sflag:s17] =	ssyncadd.s32 $0xFFFFFF80  }
0x35: {  	[spmem:s1] =	stream.indirect.scatter.add.f32 [tilespmem:s12], [sflag:$0x3], $0x80, s2, s16, $0xb8;
	[tilespmem:$0x18100] =	vst v63  }
0x36: {  	_ =	swait.ge [sflag:s13], $0x4000  }
0x37: {  	s21 =	sadd.s32 s21, s11;
	[sflag:s13] =	ssyncset.done $0x0  }
0x38: {  	s22 =	sadd.s32 $0x4E0, s21;
	[sflag:s13] =	ssyncadd.s32 $0xFFFFC000  }
0x39: {  	[tilespmem:s2], [sflag:$0x1] =	stream.linear.gather [hbm4b:s22+s2], $0x80, $0x38;
	[tilespmem:$0x18100] =	vst v63  }
0x3a: {  	_ =	swait.ge [sflag:s18], $0x80  }
0x3b: {  	[sflag:s18] =	ssyncset.done $0x0  }
.Ltmp0:
0x3c: {  	[sflag:s18] =	ssyncadd.s32 $0xFFFFFF80;
	(pc) =	sbr.rel @p0 .LBB2_2-.Ltmp0, $4  }
0x3d: {  	[spmem:s1] =	stream.indirect.scatter.add.f32 [tilespmem:s12], [sflag:$0x3], $0x80, s16, s16, $0xb8;
	[tilespmem:$0x18100] =	vst v63  }
0x3e: {  	_ =	swait.ge [sflag:s13], $0x4000  }
0x3f: {  	[sflag:s13] =	ssyncset.done $0x0  }
0x40: {  	s21 =	sadd.s32 $0x4F0, s21;
	[sflag:s13] =	ssyncadd.s32 $0xFFFFC000  }
0x41: {  	[tilespmem:s16], [sflag:$0x2] =	stream.linear.gather [hbm4b:s21+s2], $0x80, $0x38;
	[tilespmem:$0x18100] =	vst v63  }
0x42: {  	_ =	swait.ge [sflag:s17], $0x80  }
0x43: {  	[sflag:s17] =	ssyncset.done $0x0  }
0x44: {  	[sflag:s17] =	ssyncadd.s32 $0xFFFFFF80  }
0x45: {  	[spmem:s1] =	stream.indirect.scatter.add.f32 [tilespmem:s12], [sflag:$0x3], $0x80, s2, s16, $0xb8;
	[tilespmem:$0x18100] =	vst v63  }
0x46: {  	_ =	swait.ge [sflag:s13], $0x4000  }
0x47: {  	[sflag:s13] =	ssyncset.done $0x0  }
0x48: {  	[sflag:s13] =	ssyncadd.s32 $0xFFFFC000  }
0x49: {  	[tilespmem:s2], [sflag:$0x1] =	stream.linear.gather [hbm4b:s10+s2], $0x80, $0x38;
	[tilespmem:$0x18100] =	vst v63  }
0x4a: {  	_ =	swait.ge [sflag:s18], $0x80  }
0x4b: {  	[sflag:s18] =	ssyncset.done $0x0  }
0x4c: {  	[sflag:s18] =	ssyncadd.s32 $0xFFFFFF80  }
0x4d: {  	[spmem:s1] =	stream.indirect.scatter.add.f32 [tilespmem:s12], [sflag:$0x3], $0x80, s16, s16, $0xb8;
	[tilespmem:$0x18100] =	vst v63  }
0x4e: {  	_ =	swait.ge [sflag:s13], $0x4000  }
0x4f: {  	[sflag:s13] =	ssyncset.done $0x0  }
0x50: {  	[sflag:s13] =	ssyncadd.s32 $0xFFFFC000  }
0x51: {  	_ =	swait.ge [sflag:s17], $0x80  }
0x52: {  	[sflag:s17] =	ssyncset.done $0x0  }
0x53: {  	[sflag:s17] =	ssyncadd.s32 $0xFFFFFF80  }
0x54: {  	[spmem:s1] =	stream.indirect.scatter.add.f32 [tilespmem:s12], [sflag:$0x3], $0x80, s2, s16, $0xb8;
	[tilespmem:$0x18100] =	vst v63  }
0x55: {  	_ =	swait.ge [sflag:s13], $0x4000  }
0x56: {  	s19 =	sadd.s32 $0x1, s19;
	[sflag:s13] =	ssyncset.done $0x0  }
0x57: {  	p0 =	sne.s32 s19, s9;
	[sflag:s13] =	ssyncadd.s32 $0xFFFFC000  }
.Ltmp1:
0x58: {  	[bflag:$0x0] =	sbarrier.arrive $0xFFFF;
	(pc) =	sbr.rel @p0 .LBB2_1-.Ltmp1, $4  }
0x59: {  	[hbm:s8], [sflag:s14] =	dma.local [spmem:s15], $0x2800  }
0x5a: {  	_ =	swait.ge [sflag:s13], $0x2800  }
0x5b: {  	[sflag:s13] =	ssyncset.done $0x0  }
0x5c: {  	[sflag:s13] =	ssyncadd.s32 $0xFFFFD800  }
0x5d: {  	_ =	sfence.sel $0x180000  }
0x5e: {  	[bflag:$0x0] =	sbarrier.arrive $0xFFFF  }
0x5f: {  	p0 =	sne.s32 s3, $0x0;
	_ =	strace $0x90000047  }
0x60: {  	s0 =	sadd.s32 @!p0 $0x100000, s0;
	[bflag:$0x2] =	sbarrier.arrive $0xFFFF  }
0x61: {  	[sflag:s0] =	ssyncadd.tile.s32 @!p0 $0x1;
	_ =	shalt  }
.Lfunc_end2:
_tile_overlayer_lowered:
.L_overlay_start_2:
0x62: {  	(tag) =	ssettag $0x2  }
0x63: {  	s0 =	rddreg [dreg:$0x0];
	s2 =	stileid.u32  }
0x64: {  	s1 =	rddreg [dreg:$0x1];
	p0 =	sne.s32 s2, $0x0  }
0x65: {  	s3 =	rddreg [dreg:$0x2];
	[bflag:$0x3] =	sbarrier.arrive $0xFFFF;
	s2 =	simm.s32 @!p0 $0x1C03  }
0x66: {  	[timem:s3], [sflag:s2] =	dma.local @!p0 [hbm:s0], s1  }
0x67: {  	s0 =	simm.s32 @!p0 $0x3  }
0x68: {  	_ =	swait.ge @!p0 [sflag:s0], s1  }
0x69: {  	s1 =	ssub.s32 @!p0 $0x0, s1;
	[sflag:s0] =	ssyncset.done @!p0 $0x0  }
0x6a: {  	[sflag:s0] =	ssyncadd.s32 @!p0 s1  }
0x6b: {  	[bflag:$0x3] =	sbarrier.arrive $0xFFFF  }
0x6c: {  	_ =	shalt  }

</sc_bundles>
